<compile_context>
chip_gen: v7x
topology: tpu7x:2x2x1
jax: 0.10.2.dev20260603
libtpu: 0.0.44.dev20260713+nightly
codegen_flags: <defaults>
</compile_context>

<pallas_src>
import functools

import jax
import jax.numpy as jnp
from jax import lax
from jax.experimental import pallas as pl
from jax.experimental.pallas import tpu as pltpu
from jax.experimental.pallas import tpu_sc as plsc

B = 16
L = 4096
D = 8
NC = 2
NQ = 2
QW = L // NQ
_mesh = plsc.VectorSubcoreMesh(core_axis_name="c", subcore_axis_name="s")


@functools.partial(
    pl.kernel,
    mesh=_mesh,
    out_type=jax.ShapeDtypeStruct((B, D, L), jnp.float32),
    scratch_types=[
        pltpu.VMEM((L,), jnp.int32),
        pltpu.VMEM((L,), jnp.float32),
        pltpu.VMEM((16,), jnp.int32),
        pltpu.VMEM((8,), jnp.float32),
        pltpu.VMEM((8,), jnp.float32),
        pltpu.VMEM((16,), jnp.float32),
        pltpu.VMEM((4 * L,), jnp.float32),
        pltpu.SemaphoreType.DMA,
    ],
    compiler_params=pltpu.CompilerParams(
        needs_layout_passes=False, skip_device_barrier=True,
        disable_semaphore_checks=True),
)
def _sc_embed(ts_hbm, len_hbm, w_hbm, b_hbm, out_hbm,
              ts_v, secs_v, len_v, w_v, b_v, red_v, out_v, sem):
    wid = lax.axis_index("s") * NC + lax.axis_index("c")
    row = wid // 2
    dg = wid % 2

    c1 = pltpu.async_copy(ts_hbm.at[row], ts_v, sem)
    c2 = pltpu.async_copy(len_hbm, len_v, sem)
    c3 = pltpu.async_copy(w_hbm, w_v, sem)
    c4 = pltpu.async_copy(b_hbm, b_v, sem)
    c1.wait()
    c2.wait()
    c3.wait()
    c4.wait()

    iota = lax.iota(jnp.int32, 16)
    inv_day = jnp.float32(1.0 / 86400.0)

    inf_v = jnp.full((16,), jnp.inf, jnp.float32)

    @plsc.parallel_loop(0, L // 16, unroll=2, carry=(inf_v, -inf_v))
    def _pass1(j, carry):
        mn_v, mx_v = carry
        ts = ts_v[pl.ds(j * 16, 16)]
        xf = ts.astype(jnp.float32)
        q = (xf * inv_day).astype(jnp.int32)
        qm = ((q.astype(jnp.float32) * 675.0) * 128.0).astype(jnp.int32)
        r = ts - qm
        r = jnp.where(r < 0, r + 86400, r)
        r = jnp.where(r >= 86400, r - 86400, r)
        secs = r.astype(jnp.float32)
        secs_v[pl.ds(j * 16, 16)] = secs
        return jnp.minimum(mn_v, secs), jnp.maximum(mx_v, secs)

    mn_v, mx_v = _pass1

    def lane_all_reduce(v, op):
        for step in (8, 4, 2, 1):
            red_v[...] = v
            v = op(v, plsc.load_gather(red_v, [lax.bitwise_xor(iota, step)]))
        return v

    mn = lane_all_reduce(mn_v, jnp.minimum)
    mx = lane_all_reduce(mx_v, jnp.maximum)
    inv_span = 1.0 / (mx - mn)
    row_len = plsc.load_gather(len_v, [jnp.broadcast_to(row, (16,))])

    scales = []
    biases = []
    for dloc in range(4):
        d = dg * 4 + dloc
        w_d = plsc.load_gather(w_v, [jnp.broadcast_to(d, (16,))])
        b_d = plsc.load_gather(b_v, [jnp.broadcast_to(d, (16,))])
        s_d = w_d * inv_span
        scales.append(s_d)
        biases.append(b_d - mn * s_d)

    copies = []
    for qq in range(NQ):

        @plsc.parallel_loop(qq * (QW // 16), (qq + 1) * (QW // 16), unroll=2)
        def _pass2(j):
            s = secs_v[pl.ds(j * 16, 16)]
            m = (iota + j * 16) < row_len
            for dloc in range(4):
                o = s * scales[dloc] + biases[dloc]
                o = jnp.where(m, o, 0.0)
                out_v[pl.ds(dloc * L + j * 16, 16)] = o

        for dloc in range(4):
            copies.append(pltpu.async_copy(
                out_v.at[pl.ds(dloc * L + qq * QW, QW)],
                out_hbm.at[row, dg * 4 + dloc, pl.ds(qq * QW, QW)],
                sem))
    for cp in copies:
        cp.wait()


@jax.jit
def kernel(time_seqs, seq_lengths, W, b):
    ts = time_seqs.astype(jnp.int32)
    sl = seq_lengths.astype(jnp.int32)
    out = _sc_embed(ts, sl, W.reshape(-1), b)
    return out.transpose(0, 2, 1)

# --- scband reference (transcript-rebuilt; emitter-appended) ---
"""Pipeline reference for scband-time-embedding-6786048328636 (READ-ONLY COPY).

The authoritative reference and input builder live on the scoring server;
editing this copy changes nothing except your own understanding.
"""

import jax, jax.numpy as jnp
import numpy as np

B = 16
L = 4096
TIME_DIM = 8  # parameters.time_dim, must equal hidden_dim=8


def setup_inputs(seed: int = 0) -> dict:
    key = jax.random.key(seed)
    k1, k2, k3, k4 = jax.random.split(key, 4)
    time_seqs = jax.random.randint(k1, (B, L), 0, 1700000000).astype(jnp.int64)
    seq_lengths = jax.random.randint(k2, (B,), 1, L + 1).astype(jnp.int64)
    # ensure max(seq_lengths) == L so padded output width is static
    seq_lengths = seq_lengths.at[0].set(L)
    # nn.Linear(1, time_dim): weight [time_dim, 1], bias [time_dim]
    bound = 1.0  # 1/sqrt(fan_in=1)
    W = jax.random.uniform(k3, (TIME_DIM, 1), minval=-bound, maxval=bound, dtype=jnp.float32)
    b = jax.random.uniform(k4, (TIME_DIM,), minval=-bound, maxval=bound, dtype=jnp.float32)
    return {"time_seqs": time_seqs, "seq_lengths": seq_lengths, "W": W, "b": b}


def reference(time_seqs, seq_lengths, W, b):
    # seconds-of-day per timestamp (UTC): hour*3600 + minute*60 + second == ts % 86400
    secs = (time_seqs % 86400).astype(jnp.float32)  # [B, L]
    # per-sequence min-max normalization
    mn = jnp.min(secs, axis=1, keepdims=True)
    mx = jnp.max(secs, axis=1, keepdims=True)
    normalized = (secs - mn) / (mx - mn)  # [B, L]
    # Linear(1, time_dim)
    embed = normalized[..., None] * W[:, 0][None, None, :] + b[None, None, :]  # [B, L, TIME_DIM]
    # pack into zero-padded tensor: positions >= seq_lengths[i] are zero
    max_len = time_seqs.shape[1]
    mask = (jnp.arange(max_len)[None, :] < seq_lengths[:, None])[..., None]
    embedded_seq_tensor = jnp.where(mask, embed, jnp.zeros((), dtype=jnp.float32))
    return embedded_seq_tensor

if __name__ == "__main__":
    import jax
    _d = setup_inputs()
    print(jax.jit(kernel)(*tuple(_d.values())))

</pallas_src>

<mosaic_0001>
#map = affine_map<(d0, d1) -> (0, 0)>
#map1 = affine_map<(d0, d1) -> (0)>
#map2 = affine_map<(d0, d1) -> (0, 0, 0)>
module attributes {stable_mosaic.version = 14 : i64} {
  func.func @_sc_embed(%arg0: i32, %arg1: i32, %arg2: memref<16x4096xi32, #tpu.memory_space<hbm>>, %arg3: memref<16xi32, #tpu.memory_space<hbm>>, %arg4: memref<8xf32, #tpu.memory_space<hbm>>, %arg5: memref<8xf32, #tpu.memory_space<hbm>>, %arg6: memref<16x8x4096xf32, #tpu.memory_space<hbm>>, %arg7: memref<4096xi32, #tpu.memory_space<vmem>>, %arg8: memref<4096xf32, #tpu.memory_space<vmem>>, %arg9: memref<16xi32, #tpu.memory_space<vmem>>, %arg10: memref<8xf32, #tpu.memory_space<vmem>>, %arg11: memref<8xf32, #tpu.memory_space<vmem>>, %arg12: memref<16xf32, #tpu.memory_space<vmem>>, %arg13: memref<16384xf32, #tpu.memory_space<vmem>>, %arg14: memref<!tpu.dma_semaphore, #tpu.memory_space<semaphore_mem>>) attributes {dimension_semantics = [#tpu.dimension_semantics<core_parallel>, #tpu.dimension_semantics<subcore_parallel>], iteration_bounds = array<i64: 2, 16>, scalar_prefetch = 0 : i64, scratch_operands = 8 : i64, tpu.core_type = #tpu.core_type<sc_vector_subcore>, window_params = [{transform_indices = #map}, {transform_indices = #map1}, {transform_indices = #map1}, {transform_indices = #map1}, {transform_indices = #map2}]} {
    %mul3A = arith.constant 2 : i32
    %mul3A_0 = arith.muli %arg1, %mul3A : i32
    %add3A = arith.addi %mul3A_0, %arg0 : i32
    %jit3A = arith.constant 2 : i32
    %div3A = arith.divsi %add3A, %jit3A : i32
    %sign3A = arith.constant 0 : i32
    %sign3A_1 = arith.cmpi sgt, %add3A, %sign3A : i32
    %sign3A_2 = arith.extui %sign3A_1 : i1 to i32
    %sign3A_3 = arith.constant 0 : i32
    %sign3A_4 = arith.cmpi slt, %add3A, %sign3A_3 : i32
    %sign3A_5 = arith.extui %sign3A_4 : i1 to i32
    %sign3A_6 = arith.subi %sign3A_2, %sign3A_5 : i32
    %sign3A_7 = arith.constant 0 : i32
    %sign3A_8 = arith.cmpi sgt, %jit3A, %sign3A_7 : i32
    %sign3A_9 = arith.extui %sign3A_8 : i1 to i32
    %sign3A_10 = arith.constant 0 : i32
    %sign3A_11 = arith.cmpi slt, %jit3A, %sign3A_10 : i32
    %sign3A_12 = arith.extui %sign3A_11 : i1 to i32
    %sign3A_13 = arith.subi %sign3A_9, %sign3A_12 : i32
    %ne3A = arith.cmpi ne, %sign3A_6, %sign3A_13 : i32
    %rem3A = arith.remsi %add3A, %jit3A : i32
    %ne3A_14 = arith.constant 0 : i32
    %ne3A_15 = arith.cmpi ne, %rem3A, %ne3A_14 : i32
    %and3A = arith.andi %ne3A, %ne3A_15 : i1
    %sub3A = arith.constant 1 : i32
    %sub3A_16 = arith.subi %div3A, %sub3A : i32
    %select_n3A = arith.select %and3A, %sub3A_16, %div3A : i32
    %jit3A_17 = arith.constant 2 : i32
    %eq3A = arith.constant 0 : i32
    %eq3A_18 = arith.cmpi eq, %jit3A_17, %eq3A : i32
    %jit3A_19 = arith.constant 1 : i32
    %select_n3A_20 = arith.select %eq3A_18, %jit3A_19, %jit3A_17 : i32
    %rem3A_21 = arith.remsi %add3A, %select_n3A_20 : i32
    %ne3A_22 = arith.constant 0 : i32
    %ne3A_23 = arith.cmpi ne, %rem3A_21, %ne3A_22 : i32
    %lt3A = arith.constant 0 : i32
    %lt3A_24 = arith.cmpi slt, %rem3A_21, %lt3A : i32
    %lt3A_25 = arith.constant 0 : i32
    %lt3A_26 = arith.cmpi slt, %select_n3A_20, %lt3A_25 : i32
    %ne3A_27 = arith.xori %lt3A_24, %lt3A_26 : i1
    %and3A_28 = arith.andi %ne3A_27, %ne3A_23 : i1
    %add3A_29 = arith.addi %rem3A_21, %select_n3A_20 : i32
    %select_n3A_30 = arith.select %and3A_28, %add3A_29, %rem3A_21 : i32
    %dma_start3A = arith.constant 0 : i32
    %dma_start3A_31 = tpu.memref_slice %arg2[%select_n3A, %dma_start3A] : memref<16x4096xi32, #tpu.memory_space<hbm>> -> memref<1x4096xi32, #tpu.memory_space<hbm>>
    %dma_start3A_32 = tpu.memref_squeeze %dma_start3A_31 : memref<1x4096xi32, #tpu.memory_space<hbm>> -> memref<4096xi32, #tpu.memory_space<hbm>>
    %dma_start3A_33 = arith.constant 0 : i32
    %dma_start3A_34 = tpu.memref_slice %arg2[%select_n3A, %dma_start3A_33] : memref<16x4096xi32, #tpu.memory_space<hbm>> -> memref<1x4096xi32, #tpu.memory_space<hbm>>
    %dma_start3A_35 = tpu.memref_squeeze %dma_start3A_34 : memref<1x4096xi32, #tpu.memory_space<hbm>> -> memref<4096xi32, #tpu.memory_space<hbm>>
    tpu.enqueue_dma source(%dma_start3A_35 : memref<4096xi32, #tpu.memory_space<hbm>>) target(%arg7 : memref<4096xi32, #tpu.memory_space<vmem>>) target_semaphore(%arg14 : memref<!tpu.dma_semaphore, #tpu.memory_space<semaphore_mem>>)
    tpu.enqueue_dma source(%arg3 : memref<16xi32, #tpu.memory_space<hbm>>) target(%arg9 : memref<16xi32, #tpu.memory_space<vmem>>) target_semaphore(%arg14 : memref<!tpu.dma_semaphore, #tpu.memory_space<semaphore_mem>>)
    tpu.enqueue_dma source(%arg4 : memref<8xf32, #tpu.memory_space<hbm>>) target(%arg10 : memref<8xf32, #tpu.memory_space<vmem>>) target_semaphore(%arg14 : memref<!tpu.dma_semaphore, #tpu.memory_space<semaphore_mem>>)
    tpu.enqueue_dma source(%arg5 : memref<8xf32, #tpu.memory_space<hbm>>) target(%arg11 : memref<8xf32, #tpu.memory_space<vmem>>) target_semaphore(%arg14 : memref<!tpu.dma_semaphore, #tpu.memory_space<semaphore_mem>>)
    %dma_wait3A = arith.constant 0 : i32
    %dma_wait3A_36 = tpu.memref_slice %arg2[%select_n3A, %dma_wait3A] : memref<16x4096xi32, #tpu.memory_space<hbm>> -> memref<1x4096xi32, #tpu.memory_space<hbm>>
    %dma_wait3A_37 = tpu.memref_squeeze %dma_wait3A_36 : memref<1x4096xi32, #tpu.memory_space<hbm>> -> memref<4096xi32, #tpu.memory_space<hbm>>
    %dma_wait3A_38 = arith.constant 0 : i32
    %dma_wait3A_39 = tpu.memref_slice %arg2[%select_n3A, %dma_wait3A_38] : memref<16x4096xi32, #tpu.memory_space<hbm>> -> memref<1x4096xi32, #tpu.memory_space<hbm>>
    %dma_wait3A_40 = tpu.memref_squeeze %dma_wait3A_39 : memref<1x4096xi32, #tpu.memory_space<hbm>> -> memref<4096xi32, #tpu.memory_space<hbm>>
    tpu.wait_dma2 semaphore(%arg14 : memref<!tpu.dma_semaphore, #tpu.memory_space<semaphore_mem>>) src(%dma_wait3A_40 : memref<4096xi32, #tpu.memory_space<hbm>>) dst(%arg7 : memref<4096xi32, #tpu.memory_space<vmem>>)
    tpu.wait_dma2 semaphore(%arg14 : memref<!tpu.dma_semaphore, #tpu.memory_space<semaphore_mem>>) src(%arg3 : memref<16xi32, #tpu.memory_space<hbm>>) dst(%arg9 : memref<16xi32, #tpu.memory_space<vmem>>)
    tpu.wait_dma2 semaphore(%arg14 : memref<!tpu.dma_semaphore, #tpu.memory_space<semaphore_mem>>) src(%arg4 : memref<8xf32, #tpu.memory_space<hbm>>) dst(%arg10 : memref<8xf32, #tpu.memory_space<vmem>>)
    tpu.wait_dma2 semaphore(%arg14 : memref<!tpu.dma_semaphore, #tpu.memory_space<semaphore_mem>>) src(%arg5 : memref<8xf32, #tpu.memory_space<hbm>>) dst(%arg11 : memref<8xf32, #tpu.memory_space<vmem>>)
    %iota3A = tpu.iota {dimensions = array<i32: 0>} : vector<16xi32>
    %broadcast_in_dim3A = arith.constant 0x7F800000 : f32
    %broadcast_in_dim3A_41 = vector.broadcast %broadcast_in_dim3A : f32 to vector<16xf32>
    %neg3A = arith.constant 0.000000e+00 : f32
    %neg3A_42 = vector.broadcast %neg3A : f32 to vector<16xf32>
    %neg3A_43 = arith.subf %neg3A_42, %broadcast_in_dim3A_41 : vector<16xf32>
    %parallel_loop3A = arith.constant 0 : i32
    %parallel_loop3A_44 = arith.constant 256 : i32
    %parallel_loop3A_45 = arith.constant 1 : i32
    %parallel_loop3A_46 = arith.constant 1.15740741E-5 : f32
    %parallel_loop3A_47:2 = scf.for %parallel_loop3A_347 = %parallel_loop3A to %parallel_loop3A_44 step %parallel_loop3A_45 iter_args(%parallel_loop3A_348 = %broadcast_in_dim3A_41, %parallel_loop3A_349 = %neg3A_43) -> (vector<16xf32>, vector<16xf32>)  : i32 {
      %parallel_loop3A_350 = arith.constant 16 : i32
      %parallel_loop3A_351 = arith.muli %parallel_loop3A_347, %parallel_loop3A_350 : i32
      %parallel_loop3A_352 = arith.index_cast %parallel_loop3A_351 : i32 to index
      %parallel_loop3A_353 = tpu.vector_load %arg7[%parallel_loop3A_352] {strides = array<i32>} : memref<4096xi32, #tpu.memory_space<vmem>>, vector<16xi32>,
      %parallel_loop3A_354 = arith.sitofp %parallel_loop3A_353 : vector<16xi32> to vector<16xf32>
      %parallel_loop3A_355 = vector.broadcast %parallel_loop3A_46 : f32 to vector<16xf32>
      %parallel_loop3A_356 = arith.mulf %parallel_loop3A_354, %parallel_loop3A_355 : vector<16xf32>
      %parallel_loop3A_357 = arith.fptosi %parallel_loop3A_356 : vector<16xf32> to vector<16xi32>
      %parallel_loop3A_358 = arith.sitofp %parallel_loop3A_357 : vector<16xi32> to vector<16xf32>
      %parallel_loop3A_359 = arith.constant 6.750000e+02 : f32
      %parallel_loop3A_360 = vector.broadcast %parallel_loop3A_359 : f32 to vector<16xf32>
      %parallel_loop3A_361 = arith.mulf %parallel_loop3A_358, %parallel_loop3A_360 : vector<16xf32>
      %parallel_loop3A_362 = arith.constant 1.280000e+02 : f32
      %parallel_loop3A_363 = vector.broadcast %parallel_loop3A_362 : f32 to vector<16xf32>
      %parallel_loop3A_364 = arith.mulf %parallel_loop3A_361, %parallel_loop3A_363 : vector<16xf32>
      %parallel_loop3A_365 = arith.fptosi %parallel_loop3A_364 : vector<16xf32> to vector<16xi32>
      %parallel_loop3A_366 = arith.subi %parallel_loop3A_353, %parallel_loop3A_365 : vector<16xi32>
      %parallel_loop3A_367 = arith.constant 0 : i32
      %parallel_loop3A_368 = vector.broadcast %parallel_loop3A_367 : i32 to vector<16xi32>
      %parallel_loop3A_369 = arith.cmpi slt, %parallel_loop3A_366, %parallel_loop3A_368 : vector<16xi32>
      %parallel_loop3A_370 = arith.constant 86400 : i32
      %parallel_loop3A_371 = vector.broadcast %parallel_loop3A_370 : i32 to vector<16xi32>
      %parallel_loop3A_372 = arith.addi %parallel_loop3A_366, %parallel_loop3A_371 : vector<16xi32>
      %parallel_loop3A_373 = arith.select %parallel_loop3A_369, %parallel_loop3A_372, %parallel_loop3A_366 : vector<16xi1>, vector<16xi32>
      %parallel_loop3A_374 = arith.constant 86400 : i32
      %parallel_loop3A_375 = vector.broadcast %parallel_loop3A_374 : i32 to vector<16xi32>
      %parallel_loop3A_376 = arith.cmpi sge, %parallel_loop3A_373, %parallel_loop3A_375 : vector<16xi32>
      %parallel_loop3A_377 = arith.constant 86400 : i32
      %parallel_loop3A_378 = vector.broadcast %parallel_loop3A_377 : i32 to vector<16xi32>
      %parallel_loop3A_379 = arith.subi %parallel_loop3A_373, %parallel_loop3A_378 : vector<16xi32>
      %parallel_loop3A_380 = arith.select %parallel_loop3A_376, %parallel_loop3A_379, %parallel_loop3A_373 : vector<16xi1>, vector<16xi32>
      %parallel_loop3A_381 = arith.sitofp %parallel_loop3A_380 : vector<16xi32> to vector<16xf32>
      %parallel_loop3A_382 = arith.constant 16 : i32
      %parallel_loop3A_383 = arith.muli %parallel_loop3A_347, %parallel_loop3A_382 : i32
      %parallel_loop3A_384 = arith.index_cast %parallel_loop3A_383 : i32 to index
      %parallel_loop3A_385 = tpu.vector_load %arg8[%parallel_loop3A_384] {strides = array<i32>} : memref<4096xf32, #tpu.memory_space<vmem>>, vector<16xf32>,
      tpu.vector_store %arg8[%parallel_loop3A_384], %parallel_loop3A_381 {strides = array<i32>} : memref<4096xf32, #tpu.memory_space<vmem>>, vector<16xf32>,
      %parallel_loop3A_386 = arith.minimumf %parallel_loop3A_348, %parallel_loop3A_381 : vector<16xf32>
      %parallel_loop3A_387 = arith.maximumf %parallel_loop3A_349, %parallel_loop3A_381 : vector<16xf32>
      scf.yield %parallel_loop3A_386, %parallel_loop3A_387 : vector<16xf32>, vector<16xf32>
    } {sc.loop_unroll_factor = 2 : i64, sc.parallel_access}
    %swap3A = arith.constant 0 : index
    %swap3A_48 = tpu.vector_load %arg12[%swap3A] {strides = array<i32>} : memref<16xf32, #tpu.memory_space<vmem>>, vector<16xf32>,
    tpu.vector_store %arg12[%swap3A], %parallel_loop3A_47#0 {strides = array<i32>} : memref<16xf32, #tpu.memory_space<vmem>>, vector<16xf32>,
    %xor3A = arith.constant 8 : i32
    %xor3A_49 = vector.broadcast %xor3A : i32 to vector<16xi32>
    %xor3A_50 = arith.xori %iota3A, %xor3A_49 : vector<16xi32>
    %gather3A = tpu.vector_load_idx %arg12[%xor3A_50] : memref<16xf32, #tpu.memory_space<vmem>>[vector<16xi32>], vector<16xf32>,
    %min3A = arith.minimumf %parallel_loop3A_47#0, %gather3A : vector<16xf32>
    %swap3A_51 = arith.constant 0 : index
    %swap3A_52 = tpu.vector_load %arg12[%swap3A_51] {strides = array<i32>} : memref<16xf32, #tpu.memory_space<vmem>>, vector<16xf32>,
    tpu.vector_store %arg12[%swap3A_51], %min3A {strides = array<i32>} : memref<16xf32, #tpu.memory_space<vmem>>, vector<16xf32>,
    %xor3A_53 = arith.constant 4 : i32
    %xor3A_54 = vector.broadcast %xor3A_53 : i32 to vector<16xi32>
    %xor3A_55 = arith.xori %iota3A, %xor3A_54 : vector<16xi32>
    %gather3A_56 = tpu.vector_load_idx %arg12[%xor3A_55] : memref<16xf32, #tpu.memory_space<vmem>>[vector<16xi32>], vector<16xf32>,
    %min3A_57 = arith.minimumf %min3A, %gather3A_56 : vector<16xf32>
    %swap3A_58 = arith.constant 0 : index
    %swap3A_59 = tpu.vector_load %arg12[%swap3A_58] {strides = array<i32>} : memref<16xf32, #tpu.memory_space<vmem>>, vector<16xf32>,
    tpu.vector_store %arg12[%swap3A_58], %min3A_57 {strides = array<i32>} : memref<16xf32, #tpu.memory_space<vmem>>, vector<16xf32>,
    %xor3A_60 = arith.constant 2 : i32
    %xor3A_61 = vector.broadcast %xor3A_60 : i32 to vector<16xi32>
    %xor3A_62 = arith.xori %iota3A, %xor3A_61 : vector<16xi32>
    %gather3A_63 = tpu.vector_load_idx %arg12[%xor3A_62] : memref<16xf32, #tpu.memory_space<vmem>>[vector<16xi32>], vector<16xf32>,
    %min3A_64 = arith.minimumf %min3A_57, %gather3A_63 : vector<16xf32>
    %swap3A_65 = arith.constant 0 : index
    %swap3A_66 = tpu.vector_load %arg12[%swap3A_65] {strides = array<i32>} : memref<16xf32, #tpu.memory_space<vmem>>, vector<16xf32>,
    tpu.vector_store %arg12[%swap3A_65], %min3A_64 {strides = array<i32>} : memref<16xf32, #tpu.memory_space<vmem>>, vector<16xf32>,
    %xor3A_67 = arith.constant 1 : i32
    %xor3A_68 = vector.broadcast %xor3A_67 : i32 to vector<16xi32>
    %xor3A_69 = arith.xori %iota3A, %xor3A_68 : vector<16xi32>
    %gather3A_70 = tpu.vector_load_idx %arg12[%xor3A_69] : memref<16xf32, #tpu.memory_space<vmem>>[vector<16xi32>], vector<16xf32>,
    %min3A_71 = arith.minimumf %min3A_64, %gather3A_70 : vector<16xf32>
    %swap3A_72 = arith.constant 0 : index
    %swap3A_73 = tpu.vector_load %arg12[%swap3A_72] {strides = array<i32>} : memref<16xf32, #tpu.memory_space<vmem>>, vector<16xf32>,
    tpu.vector_store %arg12[%swap3A_72], %parallel_loop3A_47#1 {strides = array<i32>} : memref<16xf32, #tpu.memory_space<vmem>>, vector<16xf32>,
    %xor3A_74 = arith.constant 8 : i32
    %xor3A_75 = vector.broadcast %xor3A_74 : i32 to vector<16xi32>
    %xor3A_76 = arith.xori %iota3A, %xor3A_75 : vector<16xi32>
    %gather3A_77 = tpu.vector_load_idx %arg12[%xor3A_76] : memref<16xf32, #tpu.memory_space<vmem>>[vector<16xi32>], vector<16xf32>,
    %max3A = arith.maximumf %parallel_loop3A_47#1, %gather3A_77 : vector<16xf32>
    %swap3A_78 = arith.constant 0 : index
    %swap3A_79 = tpu.vector_load %arg12[%swap3A_78] {strides = array<i32>} : memref<16xf32, #tpu.memory_space<vmem>>, vector<16xf32>,
    tpu.vector_store %arg12[%swap3A_78], %max3A {strides = array<i32>} : memref<16xf32, #tpu.memory_space<vmem>>, vector<16xf32>,
    %xor3A_80 = arith.constant 4 : i32
    %xor3A_81 = vector.broadcast %xor3A_80 : i32 to vector<16xi32>
    %xor3A_82 = arith.xori %iota3A, %xor3A_81 : vector<16xi32>
    %gather3A_83 = tpu.vector_load_idx %arg12[%xor3A_82] : memref<16xf32, #tpu.memory_space<vmem>>[vector<16xi32>], vector<16xf32>,
    %max3A_84 = arith.maximumf %max3A, %gather3A_83 : vector<16xf32>
    %swap3A_85 = arith.constant 0 : index
    %swap3A_86 = tpu.vector_load %arg12[%swap3A_85] {strides = array<i32>} : memref<16xf32, #tpu.memory_space<vmem>>, vector<16xf32>,
    tpu.vector_store %arg12[%swap3A_85], %max3A_84 {strides = array<i32>} : memref<16xf32, #tpu.memory_space<vmem>>, vector<16xf32>,
    %xor3A_87 = arith.constant 2 : i32
    %xor3A_88 = vector.broadcast %xor3A_87 : i32 to vector<16xi32>
    %xor3A_89 = arith.xori %iota3A, %xor3A_88 : vector<16xi32>
    %gather3A_90 = tpu.vector_load_idx %arg12[%xor3A_89] : memref<16xf32, #tpu.memory_space<vmem>>[vector<16xi32>], vector<16xf32>,
    %max3A_91 = arith.maximumf %max3A_84, %gather3A_90 : vector<16xf32>
    %swap3A_92 = arith.constant 0 : index
    %swap3A_93 = tpu.vector_load %arg12[%swap3A_92] {strides = array<i32>} : memref<16xf32, #tpu.memory_space<vmem>>, vector<16xf32>,
    tpu.vector_store %arg12[%swap3A_92], %max3A_91 {strides = array<i32>} : memref<16xf32, #tpu.memory_space<vmem>>, vector<16xf32>,
    %xor3A_94 = arith.constant 1 : i32
    %xor3A_95 = vector.broadcast %xor3A_94 : i32 to vector<16xi32>
    %xor3A_96 = arith.xori %iota3A, %xor3A_95 : vector<16xi32>
    %gather3A_97 = tpu.vector_load_idx %arg12[%xor3A_96] : memref<16xf32, #tpu.memory_space<vmem>>[vector<16xi32>], vector<16xf32>,
    %max3A_98 = arith.maximumf %max3A_91, %gather3A_97 : vector<16xf32>
    %sub3A_99 = arith.subf %max3A_98, %min3A_71 : vector<16xf32>
    %div3A_100 = arith.constant 1.000000e+00 : f32
    %div3A_101 = vector.broadcast %div3A_100 : f32 to vector<16xf32>
    %div3A_102 = arith.divf %div3A_101, %sub3A_99 : vector<16xf32>
    %broadcast_in_dim3A_103 = vector.broadcast %select_n3A : i32 to vector<16xi32>
    %gather3A_104 = tpu.vector_load_idx %arg9[%broadcast_in_dim3A_103] : memref<16xi32, #tpu.memory_space<vmem>>[vector<16xi32>], vector<16xi32>,
    %mul3A_105 = arith.constant 4 : i32
    %mul3A_106 = arith.muli %select_n3A_30, %mul3A_105 : i32
    %add3A_107 = arith.constant 0 : i32
    %add3A_108 = arith.addi %mul3A_106, %add3A_107 : i32
    %broadcast_in_dim3A_109 = vector.broadcast %add3A_108 : i32 to vector<16xi32>
    %gather3A_110 = tpu.vector_load_idx %arg10[%broadcast_in_dim3A_109] : memref<8xf32, #tpu.memory_space<vmem>>[vector<16xi32>], vector<16xf32>,
    %broadcast_in_dim3A_111 = vector.broadcast %add3A_108 : i32 to vector<16xi32>
    %gather3A_112 = tpu.vector_load_idx %arg11[%broadcast_in_dim3A_111] : memref<8xf32, #tpu.memory_space<vmem>>[vector<16xi32>], vector<16xf32>,
    %mul3A_113 = arith.mulf %gather3A_110, %div3A_102 : vector<16xf32>
    %mul3A_114 = arith.mulf %min3A_71, %mul3A_113 : vector<16xf32>
    %sub3A_115 = arith.subf %gather3A_112, %mul3A_114 : vector<16xf32>
    %mul3A_116 = arith.constant 4 : i32
    %mul3A_117 = arith.muli %select_n3A_30, %mul3A_116 : i32
    %add3A_118 = arith.constant 1 : i32
    %add3A_119 = arith.addi %mul3A_117, %add3A_118 : i32
    %broadcast_in_dim3A_120 = vector.broadcast %add3A_119 : i32 to vector<16xi32>
    %gather3A_121 = tpu.vector_load_idx %arg10[%broadcast_in_dim3A_120] : memref<8xf32, #tpu.memory_space<vmem>>[vector<16xi32>], vector<16xf32>,
    %broadcast_in_dim3A_122 = vector.broadcast %add3A_119 : i32 to vector<16xi32>
    %gather3A_123 = tpu.vector_load_idx %arg11[%broadcast_in_dim3A_122] : memref<8xf32, #tpu.memory_space<vmem>>[vector<16xi32>], vector<16xf32>,
    %mul3A_124 = arith.mulf %gather3A_121, %div3A_102 : vector<16xf32>
    %mul3A_125 = arith.mulf %min3A_71, %mul3A_124 : vector<16xf32>
    %sub3A_126 = arith.subf %gather3A_123, %mul3A_125 : vector<16xf32>
    %mul3A_127 = arith.constant 4 : i32
    %mul3A_128 = arith.muli %select_n3A_30, %mul3A_127 : i32
    %add3A_129 = arith.constant 2 : i32
    %add3A_130 = arith.addi %mul3A_128, %add3A_129 : i32
    %broadcast_in_dim3A_131 = vector.broadcast %add3A_130 : i32 to vector<16xi32>
    %gather3A_132 = tpu.vector_load_idx %arg10[%broadcast_in_dim3A_131] : memref<8xf32, #tpu.memory_space<vmem>>[vector<16xi32>], vector<16xf32>,
    %broadcast_in_dim3A_133 = vector.broadcast %add3A_130 : i32 to vector<16xi32>
    %gather3A_134 = tpu.vector_load_idx %arg11[%broadcast_in_dim3A_133] : memref<8xf32, #tpu.memory_space<vmem>>[vector<16xi32>], vector<16xf32>,
    %mul3A_135 = arith.mulf %gather3A_132, %div3A_102 : vector<16xf32>
    %mul3A_136 = arith.mulf %min3A_71, %mul3A_135 : vector<16xf32>
    %sub3A_137 = arith.subf %gather3A_134, %mul3A_136 : vector<16xf32>
    %mul3A_138 = arith.constant 4 : i32
    %mul3A_139 = arith.muli %select_n3A_30, %mul3A_138 : i32
    %add3A_140 = arith.constant 3 : i32
    %add3A_141 = arith.addi %mul3A_139, %add3A_140 : i32
    %broadcast_in_dim3A_142 = vector.broadcast %add3A_141 : i32 to vector<16xi32>
    %gather3A_143 = tpu.vector_load_idx %arg10[%broadcast_in_dim3A_142] : memref<8xf32, #tpu.memory_space<vmem>>[vector<16xi32>], vector<16xf32>,
    %broadcast_in_dim3A_144 = vector.broadcast %add3A_141 : i32 to vector<16xi32>
    %gather3A_145 = tpu.vector_load_idx %arg11[%broadcast_in_dim3A_144] : memref<8xf32, #tpu.memory_space<vmem>>[vector<16xi32>], vector<16xf32>,
    %mul3A_146 = arith.mulf %gather3A_143, %div3A_102 : vector<16xf32>
    %mul3A_147 = arith.mulf %min3A_71, %mul3A_146 : vector<16xf32>
    %sub3A_148 = arith.subf %gather3A_145, %mul3A_147 : vector<16xf32>
    %parallel_loop3A_149 = arith.constant 0 : i32
    %parallel_loop3A_150 = arith.constant 128 : i32
    %parallel_loop3A_151 = arith.constant 1 : i32
    scf.for %parallel_loop3A_347 = %parallel_loop3A_149 to %parallel_loop3A_150 step %parallel_loop3A_151  : i32 {
      %parallel_loop3A_348 = arith.constant 16 : i32
      %parallel_loop3A_349 = arith.muli %parallel_loop3A_347, %parallel_loop3A_348 : i32
      %parallel_loop3A_350 = arith.index_cast %parallel_loop3A_349 : i32 to index
      %parallel_loop3A_351 = tpu.vector_load %arg8[%parallel_loop3A_350] {strides = array<i32>} : memref<4096xf32, #tpu.memory_space<vmem>>, vector<16xf32>,
      %parallel_loop3A_352 = arith.constant 16 : i32
      %parallel_loop3A_353 = arith.muli %parallel_loop3A_347, %parallel_loop3A_352 : i32
      %parallel_loop3A_354 = vector.broadcast %parallel_loop3A_353 : i32 to vector<16xi32>
      %parallel_loop3A_355 = arith.addi %iota3A, %parallel_loop3A_354 : vector<16xi32>
      %parallel_loop3A_356 = arith.cmpi slt, %parallel_loop3A_355, %gather3A_104 : vector<16xi32>
      %parallel_loop3A_357 = arith.mulf %parallel_loop3A_351, %mul3A_113 : vector<16xf32>
      %parallel_loop3A_358 = arith.addf %parallel_loop3A_357, %sub3A_115 : vector<16xf32>
      %parallel_loop3A_359 = arith.constant 0.000000e+00 : f32
      %parallel_loop3A_360 = vector.broadcast %parallel_loop3A_359 : f32 to vector<16xf32>
      %parallel_loop3A_361 = arith.select %parallel_loop3A_356, %parallel_loop3A_358, %parallel_loop3A_360 : vector<16xi1>, vector<16xf32>
      %parallel_loop3A_362 = arith.constant 16 : i32
      %parallel_loop3A_363 = arith.muli %parallel_loop3A_347, %parallel_loop3A_362 : i32
      %parallel_loop3A_364 = arith.constant 0 : i32
      %parallel_loop3A_365 = arith.addi %parallel_loop3A_364, %parallel_loop3A_363 : i32
      %parallel_loop3A_366 = arith.index_cast %parallel_loop3A_365 : i32 to index
      %parallel_loop3A_367 = tpu.vector_load %arg13[%parallel_loop3A_366] {strides = array<i32>} : memref<16384xf32, #tpu.memory_space<vmem>>, vector<16xf32>,
      tpu.vector_store %arg13[%parallel_loop3A_366], %parallel_loop3A_361 {strides = array<i32>} : memref<16384xf32, #tpu.memory_space<vmem>>, vector<16xf32>,
      %parallel_loop3A_368 = arith.mulf %parallel_loop3A_351, %mul3A_124 : vector<16xf32>
      %parallel_loop3A_369 = arith.addf %parallel_loop3A_368, %sub3A_126 : vector<16xf32>
      %parallel_loop3A_370 = arith.constant 0.000000e+00 : f32
      %parallel_loop3A_371 = vector.broadcast %parallel_loop3A_370 : f32 to vector<16xf32>
      %parallel_loop3A_372 = arith.select %parallel_loop3A_356, %parallel_loop3A_369, %parallel_loop3A_371 : vector<16xi1>, vector<16xf32>
      %parallel_loop3A_373 = arith.constant 16 : i32
      %parallel_loop3A_374 = arith.muli %parallel_loop3A_347, %parallel_loop3A_373 : i32
      %parallel_loop3A_375 = arith.constant 4096 : i32
      %parallel_loop3A_376 = arith.addi %parallel_loop3A_375, %parallel_loop3A_374 : i32
      %parallel_loop3A_377 = arith.index_cast %parallel_loop3A_376 : i32 to index
      %parallel_loop3A_378 = tpu.vector_load %arg13[%parallel_loop3A_377] {strides = array<i32>} : memref<16384xf32, #tpu.memory_space<vmem>>, vector<16xf32>,
      tpu.vector_store %arg13[%parallel_loop3A_377], %parallel_loop3A_372 {strides = array<i32>} : memref<16384xf32, #tpu.memory_space<vmem>>, vector<16xf32>,
      %parallel_loop3A_379 = arith.mulf %parallel_loop3A_351, %mul3A_135 : vector<16xf32>
      %parallel_loop3A_380 = arith.addf %parallel_loop3A_379, %sub3A_137 : vector<16xf32>
      %parallel_loop3A_381 = arith.constant 0.000000e+00 : f32
      %parallel_loop3A_382 = vector.broadcast %parallel_loop3A_381 : f32 to vector<16xf32>
      %parallel_loop3A_383 = arith.select %parallel_loop3A_356, %parallel_loop3A_380, %parallel_loop3A_382 : vector<16xi1>, vector<16xf32>
      %parallel_loop3A_384 = arith.constant 16 : i32
      %parallel_loop3A_385 = arith.muli %parallel_loop3A_347, %parallel_loop3A_384 : i32
      %parallel_loop3A_386 = arith.constant 8192 : i32
      %parallel_loop3A_387 = arith.addi %parallel_loop3A_386, %parallel_loop3A_385 : i32
      %parallel_loop3A_388 = arith.index_cast %parallel_loop3A_387 : i32 to index
      %parallel_loop3A_389 = tpu.vector_load %arg13[%parallel_loop3A_388] {strides = array<i32>} : memref<16384xf32, #tpu.memory_space<vmem>>, vector<16xf32>,
      tpu.vector_store %arg13[%parallel_loop3A_388], %parallel_loop3A_383 {strides = array<i32>} : memref<16384xf32, #tpu.memory_space<vmem>>, vector<16xf32>,
      %parallel_loop3A_390 = arith.mulf %parallel_loop3A_351, %mul3A_146 : vector<16xf32>
      %parallel_loop3A_391 = arith.addf %parallel_loop3A_390, %sub3A_148 : vector<16xf32>
      %parallel_loop3A_392 = arith.constant 0.000000e+00 : f32
      %parallel_loop3A_393 = vector.broadcast %parallel_loop3A_392 : f32 to vector<16xf32>
      %parallel_loop3A_394 = arith.select %parallel_loop3A_356, %parallel_loop3A_391, %parallel_loop3A_393 : vector<16xi1>, vector<16xf32>
      %parallel_loop3A_395 = arith.constant 16 : i32
      %parallel_loop3A_396 = arith.muli %parallel_loop3A_347, %parallel_loop3A_395 : i32
      %parallel_loop3A_397 = arith.constant 12288 : i32
      %parallel_loop3A_398 = arith.addi %parallel_loop3A_397, %parallel_loop3A_396 : i32
      %parallel_loop3A_399 = arith.index_cast %parallel_loop3A_398 : i32 to index
      %parallel_loop3A_400 = tpu.vector_load %arg13[%parallel_loop3A_399] {strides = array<i32>} : memref<16384xf32, #tpu.memory_space<vmem>>, vector<16xf32>,
      tpu.vector_store %arg13[%parallel_loop3A_399], %parallel_loop3A_394 {strides = array<i32>} : memref<16384xf32, #tpu.memory_space<vmem>>, vector<16xf32>,
    } {sc.loop_unroll_factor = 2 : i64, sc.parallel_access}
    %mul3A_152 = arith.constant 4 : i32
    %mul3A_153 = arith.muli %select_n3A_30, %mul3A_152 : i32
    %add3A_154 = arith.constant 0 : i32
    %add3A_155 = arith.addi %mul3A_153, %add3A_154 : i32
    %dma_start3A_156 = arith.constant 0 : i32
    %dma_start3A_157 = tpu.memref_slice %arg13[%dma_start3A_156] : memref<16384xf32, #tpu.memory_space<vmem>> -> memref<2048xf32, #tpu.memory_space<vmem>>
    %dma_start3A_158 = arith.constant 0 : i32
    %dma_start3A_159 = tpu.memref_slice %arg6[%select_n3A, %add3A_155, %dma_start3A_158] : memref<16x8x4096xf32, #tpu.memory_space<hbm>> -> memref<1x1x2048xf32, #tpu.memory_space<hbm>>
    %dma_start3A_160 = tpu.memref_squeeze %dma_start3A_159 : memref<1x1x2048xf32, #tpu.memory_space<hbm>> -> memref<2048xf32, #tpu.memory_space<hbm>>
    %dma_start3A_161 = arith.constant 0 : i32
    %dma_start3A_162 = tpu.memref_slice %arg6[%select_n3A, %add3A_155, %dma_start3A_161] : memref<16x8x4096xf32, #tpu.memory_space<hbm>> -> memref<1x1x2048xf32, #tpu.memory_space<hbm>>
    %dma_start3A_163 = tpu.memref_squeeze %dma_start3A_162 : memref<1x1x2048xf32, #tpu.memory_space<hbm>> -> memref<2048xf32, #tpu.memory_space<hbm>>
    %dma_start3A_164 = arith.constant 0 : i32
    %dma_start3A_165 = tpu.memref_slice %arg13[%dma_start3A_164] : memref<16384xf32, #tpu.memory_space<vmem>> -> memref<2048xf32, #tpu.memory_space<vmem>>
    tpu.enqueue_dma source(%dma_start3A_165 : memref<2048xf32, #tpu.memory_space<vmem>>) target(%dma_start3A_163 : memref<2048xf32, #tpu.memory_space<hbm>>) target_semaphore(%arg14 : memref<!tpu.dma_semaphore, #tpu.memory_space<semaphore_mem>>)
    %mul3A_166 = arith.constant 4 : i32
    %mul3A_167 = arith.muli %select_n3A_30, %mul3A_166 : i32
    %add3A_168 = arith.constant 1 : i32
    %add3A_169 = arith.addi %mul3A_167, %add3A_168 : i32
    %dma_start3A_170 = arith.constant 4096 : i32
    %dma_start3A_171 = tpu.memref_slice %arg13[%dma_start3A_170] : memref<16384xf32, #tpu.memory_space<vmem>> -> memref<2048xf32, #tpu.memory_space<vmem>>
    %dma_start3A_172 = arith.constant 0 : i32
    %dma_start3A_173 = tpu.memref_slice %arg6[%select_n3A, %add3A_169, %dma_start3A_172] : memref<16x8x4096xf32, #tpu.memory_space<hbm>> -> memref<1x1x2048xf32, #tpu.memory_space<hbm>>
    %dma_start3A_174 = tpu.memref_squeeze %dma_start3A_173 : memref<1x1x2048xf32, #tpu.memory_space<hbm>> -> memref<2048xf32, #tpu.memory_space<hbm>>
    %dma_start3A_175 = arith.constant 0 : i32
    %dma_start3A_176 = tpu.memref_slice %arg6[%select_n3A, %add3A_169, %dma_start3A_175] : memref<16x8x4096xf32, #tpu.memory_space<hbm>> -> memref<1x1x2048xf32, #tpu.memory_space<hbm>>
    %dma_start3A_177 = tpu.memref_squeeze %dma_start3A_176 : memref<1x1x2048xf32, #tpu.memory_space<hbm>> -> memref<2048xf32, #tpu.memory_space<hbm>>
    %dma_start3A_178 = arith.constant 4096 : i32
    %dma_start3A_179 = tpu.memref_slice %arg13[%dma_start3A_178] : memref<16384xf32, #tpu.memory_space<vmem>> -> memref<2048xf32, #tpu.memory_space<vmem>>
    tpu.enqueue_dma source(%dma_start3A_179 : memref<2048xf32, #tpu.memory_space<vmem>>) target(%dma_start3A_177 : memref<2048xf32, #tpu.memory_space<hbm>>) target_semaphore(%arg14 : memref<!tpu.dma_semaphore, #tpu.memory_space<semaphore_mem>>)
    %mul3A_180 = arith.constant 4 : i32
    %mul3A_181 = arith.muli %select_n3A_30, %mul3A_180 : i32
    %add3A_182 = arith.constant 2 : i32
    %add3A_183 = arith.addi %mul3A_181, %add3A_182 : i32
    %dma_start3A_184 = arith.constant 8192 : i32
    %dma_start3A_185 = tpu.memref_slice %arg13[%dma_start3A_184] : memref<16384xf32, #tpu.memory_space<vmem>> -> memref<2048xf32, #tpu.memory_space<vmem>>
    %dma_start3A_186 = arith.constant 0 : i32
    %dma_start3A_187 = tpu.memref_slice %arg6[%select_n3A, %add3A_183, %dma_start3A_186] : memref<16x8x4096xf32, #tpu.memory_space<hbm>> -> memref<1x1x2048xf32, #tpu.memory_space<hbm>>
    %dma_start3A_188 = tpu.memref_squeeze %dma_start3A_187 : memref<1x1x2048xf32, #tpu.memory_space<hbm>> -> memref<2048xf32, #tpu.memory_space<hbm>>
    %dma_start3A_189 = arith.constant 0 : i32
    %dma_start3A_190 = tpu.memref_slice %arg6[%select_n3A, %add3A_183, %dma_start3A_189] : memref<16x8x4096xf32, #tpu.memory_space<hbm>> -> memref<1x1x2048xf32, #tpu.memory_space<hbm>>
    %dma_start3A_191 = tpu.memref_squeeze %dma_start3A_190 : memref<1x1x2048xf32, #tpu.memory_space<hbm>> -> memref<2048xf32, #tpu.memory_space<hbm>>
    %dma_start3A_192 = arith.constant 8192 : i32
    %dma_start3A_193 = tpu.memref_slice %arg13[%dma_start3A_192] : memref<16384xf32, #tpu.memory_space<vmem>> -> memref<2048xf32, #tpu.memory_space<vmem>>
    tpu.enqueue_dma source(%dma_start3A_193 : memref<2048xf32, #tpu.memory_space<vmem>>) target(%dma_start3A_191 : memref<2048xf32, #tpu.memory_space<hbm>>) target_semaphore(%arg14 : memref<!tpu.dma_semaphore, #tpu.memory_space<semaphore_mem>>)
    %mul3A_194 = arith.constant 4 : i32
    %mul3A_195 = arith.muli %select_n3A_30, %mul3A_194 : i32
    %add3A_196 = arith.constant 3 : i32
    %add3A_197 = arith.addi %mul3A_195, %add3A_196 : i32
    %dma_start3A_198 = arith.constant 12288 : i32
    %dma_start3A_199 = tpu.memref_slice %arg13[%dma_start3A_198] : memref<16384xf32, #tpu.memory_space<vmem>> -> memref<2048xf32, #tpu.memory_space<vmem>>
    %dma_start3A_200 = arith.constant 0 : i32
    %dma_start3A_201 = tpu.memref_slice %arg6[%select_n3A, %add3A_197, %dma_start3A_200] : memref<16x8x4096xf32, #tpu.memory_space<hbm>> -> memref<1x1x2048xf32, #tpu.memory_space<hbm>>
    %dma_start3A_202 = tpu.memref_squeeze %dma_start3A_201 : memref<1x1x2048xf32, #tpu.memory_space<hbm>> -> memref<2048xf32, #tpu.memory_space<hbm>>
    %dma_start3A_203 = arith.constant 0 : i32
    %dma_start3A_204 = tpu.memref_slice %arg6[%select_n3A, %add3A_197, %dma_start3A_203] : memref<16x8x4096xf32, #tpu.memory_space<hbm>> -> memref<1x1x2048xf32, #tpu.memory_space<hbm>>
    %dma_start3A_205 = tpu.memref_squeeze %dma_start3A_204 : memref<1x1x2048xf32, #tpu.memory_space<hbm>> -> memref<2048xf32, #tpu.memory_space<hbm>>
    %dma_start3A_206 = arith.constant 12288 : i32
    %dma_start3A_207 = tpu.memref_slice %arg13[%dma_start3A_206] : memref<16384xf32, #tpu.memory_space<vmem>> -> memref<2048xf32, #tpu.memory_space<vmem>>
    tpu.enqueue_dma source(%dma_start3A_207 : memref<2048xf32, #tpu.memory_space<vmem>>) target(%dma_start3A_205 : memref<2048xf32, #tpu.memory_space<hbm>>) target_semaphore(%arg14 : memref<!tpu.dma_semaphore, #tpu.memory_space<semaphore_mem>>)
    %parallel_loop3A_208 = arith.constant 128 : i32
    %parallel_loop3A_209 = arith.constant 256 : i32
    %parallel_loop3A_210 = arith.constant 1 : i32
    scf.for %parallel_loop3A_347 = %parallel_loop3A_208 to %parallel_loop3A_209 step %parallel_loop3A_210  : i32 {
      %parallel_loop3A_348 = arith.constant 16 : i32
      %parallel_loop3A_349 = arith.muli %parallel_loop3A_347, %parallel_loop3A_348 : i32
      %parallel_loop3A_350 = arith.index_cast %parallel_loop3A_349 : i32 to index
      %parallel_loop3A_351 = tpu.vector_load %arg8[%parallel_loop3A_350] {strides = array<i32>} : memref<4096xf32, #tpu.memory_space<vmem>>, vector<16xf32>,
      %parallel_loop3A_352 = arith.constant 16 : i32
      %parallel_loop3A_353 = arith.muli %parallel_loop3A_347, %parallel_loop3A_352 : i32
      %parallel_loop3A_354 = vector.broadcast %parallel_loop3A_353 : i32 to vector<16xi32>
      %parallel_loop3A_355 = arith.addi %iota3A, %parallel_loop3A_354 : vector<16xi32>
      %parallel_loop3A_356 = arith.cmpi slt, %parallel_loop3A_355, %gather3A_104 : vector<16xi32>
      %parallel_loop3A_357 = arith.mulf %parallel_loop3A_351, %mul3A_113 : vector<16xf32>
      %parallel_loop3A_358 = arith.addf %parallel_loop3A_357, %sub3A_115 : vector<16xf32>
      %parallel_loop3A_359 = arith.constant 0.000000e+00 : f32
      %parallel_loop3A_360 = vector.broadcast %parallel_loop3A_359 : f32 to vector<16xf32>
      %parallel_loop3A_361 = arith.select %parallel_loop3A_356, %parallel_loop3A_358, %parallel_loop3A_360 : vector<16xi1>, vector<16xf32>
      %parallel_loop3A_362 = arith.constant 16 : i32
      %parallel_loop3A_363 = arith.muli %parallel_loop3A_347, %parallel_loop3A_362 : i32
      %parallel_loop3A_364 = arith.constant 0 : i32
      %parallel_loop3A_365 = arith.addi %parallel_loop3A_364, %parallel_loop3A_363 : i32
      %parallel_loop3A_366 = arith.index_cast %parallel_loop3A_365 : i32 to index
      %parallel_loop3A_367 = tpu.vector_load %arg13[%parallel_loop3A_366] {strides = array<i32>} : memref<16384xf32, #tpu.memory_space<vmem>>, vector<16xf32>,
      tpu.vector_store %arg13[%parallel_loop3A_366], %parallel_loop3A_361 {strides = array<i32>} : memref<16384xf32, #tpu.memory_space<vmem>>, vector<16xf32>,
      %parallel_loop3A_368 = arith.mulf %parallel_loop3A_351, %mul3A_124 : vector<16xf32>
      %parallel_loop3A_369 = arith.addf %parallel_loop3A_368, %sub3A_126 : vector<16xf32>
      %parallel_loop3A_370 = arith.constant 0.000000e+00 : f32
      %parallel_loop3A_371 = vector.broadcast %parallel_loop3A_370 : f32 to vector<16xf32>
      %parallel_loop3A_372 = arith.select %parallel_loop3A_356, %parallel_loop3A_369, %parallel_loop3A_371 : vector<16xi1>, vector<16xf32>
      %parallel_loop3A_373 = arith.constant 16 : i32
      %parallel_loop3A_374 = arith.muli %parallel_loop3A_347, %parallel_loop3A_373 : i32
      %parallel_loop3A_375 = arith.constant 4096 : i32
      %parallel_loop3A_376 = arith.addi %parallel_loop3A_375, %parallel_loop3A_374 : i32
      %parallel_loop3A_377 = arith.index_cast %parallel_loop3A_376 : i32 to index
      %parallel_loop3A_378 = tpu.vector_load %arg13[%parallel_loop3A_377] {strides = array<i32>} : memref<16384xf32, #tpu.memory_space<vmem>>, vector<16xf32>,
      tpu.vector_store %arg13[%parallel_loop3A_377], %parallel_loop3A_372 {strides = array<i32>} : memref<16384xf32, #tpu.memory_space<vmem>>, vector<16xf32>,
      %parallel_loop3A_379 = arith.mulf %parallel_loop3A_351, %mul3A_135 : vector<16xf32>
      %parallel_loop3A_380 = arith.addf %parallel_loop3A_379, %sub3A_137 : vector<16xf32>
      %parallel_loop3A_381 = arith.constant 0.000000e+00 : f32
      %parallel_loop3A_382 = vector.broadcast %parallel_loop3A_381 : f32 to vector<16xf32>
      %parallel_loop3A_383 = arith.select %parallel_loop3A_356, %parallel_loop3A_380, %parallel_loop3A_382 : vector<16xi1>, vector<16xf32>
      %parallel_loop3A_384 = arith.constant 16 : i32
      %parallel_loop3A_385 = arith.muli %parallel_loop3A_347, %parallel_loop3A_384 : i32
      %parallel_loop3A_386 = arith.constant 8192 : i32
      %parallel_loop3A_387 = arith.addi %parallel_loop3A_386, %parallel_loop3A_385 : i32
      %parallel_loop3A_388 = arith.index_cast %parallel_loop3A_387 : i32 to index
      %parallel_loop3A_389 = tpu.vector_load %arg13[%parallel_loop3A_388] {strides = array<i32>} : memref<16384xf32, #tpu.memory_space<vmem>>, vector<16xf32>,
      tpu.vector_store %arg13[%parallel_loop3A_388], %parallel_loop3A_383 {strides = array<i32>} : memref<16384xf32, #tpu.memory_space<vmem>>, vector<16xf32>,
      %parallel_loop3A_390 = arith.mulf %parallel_loop3A_351, %mul3A_146 : vector<16xf32>
      %parallel_loop3A_391 = arith.addf %parallel_loop3A_390, %sub3A_148 : vector<16xf32>
      %parallel_loop3A_392 = arith.constant 0.000000e+00 : f32
      %parallel_loop3A_393 = vector.broadcast %parallel_loop3A_392 : f32 to vector<16xf32>
      %parallel_loop3A_394 = arith.select %parallel_loop3A_356, %parallel_loop3A_391, %parallel_loop3A_393 : vector<16xi1>, vector<16xf32>
      %parallel_loop3A_395 = arith.constant 16 : i32
      %parallel_loop3A_396 = arith.muli %parallel_loop3A_347, %parallel_loop3A_395 : i32
      %parallel_loop3A_397 = arith.constant 12288 : i32
      %parallel_loop3A_398 = arith.addi %parallel_loop3A_397, %parallel_loop3A_396 : i32
      %parallel_loop3A_399 = arith.index_cast %parallel_loop3A_398 : i32 to index
      %parallel_loop3A_400 = tpu.vector_load %arg13[%parallel_loop3A_399] {strides = array<i32>} : memref<16384xf32, #tpu.memory_space<vmem>>, vector<16xf32>,
      tpu.vector_store %arg13[%parallel_loop3A_399], %parallel_loop3A_394 {strides = array<i32>} : memref<16384xf32, #tpu.memory_space<vmem>>, vector<16xf32>,
    } {sc.loop_unroll_factor = 2 : i64, sc.parallel_access}
    %mul3A_211 = arith.constant 4 : i32
    %mul3A_212 = arith.muli %select_n3A_30, %mul3A_211 : i32
    %add3A_213 = arith.constant 0 : i32
    %add3A_214 = arith.addi %mul3A_212, %add3A_213 : i32
    %dma_start3A_215 = arith.constant 2048 : i32
    %dma_start3A_216 = tpu.memref_slice %arg13[%dma_start3A_215] : memref<16384xf32, #tpu.memory_space<vmem>> -> memref<2048xf32, #tpu.memory_space<vmem>>
    %dma_start3A_217 = arith.constant 2048 : i32
    %dma_start3A_218 = tpu.memref_slice %arg6[%select_n3A, %add3A_214, %dma_start3A_217] : memref<16x8x4096xf32, #tpu.memory_space<hbm>> -> memref<1x1x2048xf32, #tpu.memory_space<hbm>>
    %dma_start3A_219 = tpu.memref_squeeze %dma_start3A_218 : memref<1x1x2048xf32, #tpu.memory_space<hbm>> -> memref<2048xf32, #tpu.memory_space<hbm>>
    %dma_start3A_220 = arith.constant 2048 : i32
    %dma_start3A_221 = tpu.memref_slice %arg6[%select_n3A, %add3A_214, %dma_start3A_220] : memref<16x8x4096xf32, #tpu.memory_space<hbm>> -> memref<1x1x2048xf32, #tpu.memory_space<hbm>>
    %dma_start3A_222 = tpu.memref_squeeze %dma_start3A_221 : memref<1x1x2048xf32, #tpu.memory_space<hbm>> -> memref<2048xf32, #tpu.memory_space<hbm>>
    %dma_start3A_223 = arith.constant 2048 : i32
    %dma_start3A_224 = tpu.memref_slice %arg13[%dma_start3A_223] : memref<16384xf32, #tpu.memory_space<vmem>> -> memref<2048xf32, #tpu.memory_space<vmem>>
    tpu.enqueue_dma source(%dma_start3A_224 : memref<2048xf32, #tpu.memory_space<vmem>>) target(%dma_start3A_222 : memref<2048xf32, #tpu.memory_space<hbm>>) target_semaphore(%arg14 : memref<!tpu.dma_semaphore, #tpu.memory_space<semaphore_mem>>)
    %mul3A_225 = arith.constant 4 : i32
    %mul3A_226 = arith.muli %select_n3A_30, %mul3A_225 : i32
    %add3A_227 = arith.constant 1 : i32
    %add3A_228 = arith.addi %mul3A_226, %add3A_227 : i32
    %dma_start3A_229 = arith.constant 6144 : i32
    %dma_start3A_230 = tpu.memref_slice %arg13[%dma_start3A_229] : memref<16384xf32, #tpu.memory_space<vmem>> -> memref<2048xf32, #tpu.memory_space<vmem>>
    %dma_start3A_231 = arith.constant 2048 : i32
    %dma_start3A_232 = tpu.memref_slice %arg6[%select_n3A, %add3A_228, %dma_start3A_231] : memref<16x8x4096xf32, #tpu.memory_space<hbm>> -> memref<1x1x2048xf32, #tpu.memory_space<hbm>>
    %dma_start3A_233 = tpu.memref_squeeze %dma_start3A_232 : memref<1x1x2048xf32, #tpu.memory_space<hbm>> -> memref<2048xf32, #tpu.memory_space<hbm>>
    %dma_start3A_234 = arith.constant 2048 : i32
    %dma_start3A_235 = tpu.memref_slice %arg6[%select_n3A, %add3A_228, %dma_start3A_234] : memref<16x8x4096xf32, #tpu.memory_space<hbm>> -> memref<1x1x2048xf32, #tpu.memory_space<hbm>>
    %dma_start3A_236 = tpu.memref_squeeze %dma_start3A_235 : memref<1x1x2048xf32, #tpu.memory_space<hbm>> -> memref<2048xf32, #tpu.memory_space<hbm>>
    %dma_start3A_237 = arith.constant 6144 : i32
    %dma_start3A_238 = tpu.memref_slice %arg13[%dma_start3A_237] : memref<16384xf32, #tpu.memory_space<vmem>> -> memref<2048xf32, #tpu.memory_space<vmem>>
    tpu.enqueue_dma source(%dma_start3A_238 : memref<2048xf32, #tpu.memory_space<vmem>>) target(%dma_start3A_236 : memref<2048xf32, #tpu.memory_space<hbm>>) target_semaphore(%arg14 : memref<!tpu.dma_semaphore, #tpu.memory_space<semaphore_mem>>)
    %mul3A_239 = arith.constant 4 : i32
    %mul3A_240 = arith.muli %select_n3A_30, %mul3A_239 : i32
    %add3A_241 = arith.constant 2 : i32
    %add3A_242 = arith.addi %mul3A_240, %add3A_241 : i32
    %dma_start3A_243 = arith.constant 10240 : i32
    %dma_start3A_244 = tpu.memref_slice %arg13[%dma_start3A_243] : memref<16384xf32, #tpu.memory_space<vmem>> -> memref<2048xf32, #tpu.memory_space<vmem>>
    %dma_start3A_245 = arith.constant 2048 : i32
    %dma_start3A_246 = tpu.memref_slice %arg6[%select_n3A, %add3A_242, %dma_start3A_245] : memref<16x8x4096xf32, #tpu.memory_space<hbm>> -> memref<1x1x2048xf32, #tpu.memory_space<hbm>>
    %dma_start3A_247 = tpu.memref_squeeze %dma_start3A_246 : memref<1x1x2048xf32, #tpu.memory_space<hbm>> -> memref<2048xf32, #tpu.memory_space<hbm>>
    %dma_start3A_248 = arith.constant 2048 : i32
    %dma_start3A_249 = tpu.memref_slice %arg6[%select_n3A, %add3A_242, %dma_start3A_248] : memref<16x8x4096xf32, #tpu.memory_space<hbm>> -> memref<1x1x2048xf32, #tpu.memory_space<hbm>>
    %dma_start3A_250 = tpu.memref_squeeze %dma_start3A_249 : memref<1x1x2048xf32, #tpu.memory_space<hbm>> -> memref<2048xf32, #tpu.memory_space<hbm>>
    %dma_start3A_251 = arith.constant 10240 : i32
    %dma_start3A_252 = tpu.memref_slice %arg13[%dma_start3A_251] : memref<16384xf32, #tpu.memory_space<vmem>> -> memref<2048xf32, #tpu.memory_space<vmem>>
    tpu.enqueue_dma source(%dma_start3A_252 : memref<2048xf32, #tpu.memory_space<vmem>>) target(%dma_start3A_250 : memref<2048xf32, #tpu.memory_space<hbm>>) target_semaphore(%arg14 : memref<!tpu.dma_semaphore, #tpu.memory_space<semaphore_mem>>)
    %mul3A_253 = arith.constant 4 : i32
    %mul3A_254 = arith.muli %select_n3A_30, %mul3A_253 : i32
    %add3A_255 = arith.constant 3 : i32
    %add3A_256 = arith.addi %mul3A_254, %add3A_255 : i32
    %dma_start3A_257 = arith.constant 14336 : i32
    %dma_start3A_258 = tpu.memref_slice %arg13[%dma_start3A_257] : memref<16384xf32, #tpu.memory_space<vmem>> -> memref<2048xf32, #tpu.memory_space<vmem>>
    %dma_start3A_259 = arith.constant 2048 : i32
    %dma_start3A_260 = tpu.memref_slice %arg6[%select_n3A, %add3A_256, %dma_start3A_259] : memref<16x8x4096xf32, #tpu.memory_space<hbm>> -> memref<1x1x2048xf32, #tpu.memory_space<hbm>>
    %dma_start3A_261 = tpu.memref_squeeze %dma_start3A_260 : memref<1x1x2048xf32, #tpu.memory_space<hbm>> -> memref<2048xf32, #tpu.memory_space<hbm>>
    %dma_start3A_262 = arith.constant 2048 : i32
    %dma_start3A_263 = tpu.memref_slice %arg6[%select_n3A, %add3A_256, %dma_start3A_262] : memref<16x8x4096xf32, #tpu.memory_space<hbm>> -> memref<1x1x2048xf32, #tpu.memory_space<hbm>>
    %dma_start3A_264 = tpu.memref_squeeze %dma_start3A_263 : memref<1x1x2048xf32, #tpu.memory_space<hbm>> -> memref<2048xf32, #tpu.memory_space<hbm>>
    %dma_start3A_265 = arith.constant 14336 : i32
    %dma_start3A_266 = tpu.memref_slice %arg13[%dma_start3A_265] : memref<16384xf32, #tpu.memory_space<vmem>> -> memref<2048xf32, #tpu.memory_space<vmem>>
    tpu.enqueue_dma source(%dma_start3A_266 : memref<2048xf32, #tpu.memory_space<vmem>>) target(%dma_start3A_264 : memref<2048xf32, #tpu.memory_space<hbm>>) target_semaphore(%arg14 : memref<!tpu.dma_semaphore, #tpu.memory_space<semaphore_mem>>)
    %dma_wait3A_267 = arith.constant 0 : i32
    %dma_wait3A_268 = tpu.memref_slice %arg13[%dma_wait3A_267] : memref<16384xf32, #tpu.memory_space<vmem>> -> memref<2048xf32, #tpu.memory_space<vmem>>
    %dma_wait3A_269 = arith.constant 0 : i32
    %dma_wait3A_270 = tpu.memref_slice %arg6[%select_n3A, %add3A_155, %dma_wait3A_269] : memref<16x8x4096xf32, #tpu.memory_space<hbm>> -> memref<1x1x2048xf32, #tpu.memory_space<hbm>>
    %dma_wait3A_271 = tpu.memref_squeeze %dma_wait3A_270 : memref<1x1x2048xf32, #tpu.memory_space<hbm>> -> memref<2048xf32, #tpu.memory_space<hbm>>
    %dma_wait3A_272 = arith.constant 0 : i32
    %dma_wait3A_273 = tpu.memref_slice %arg6[%select_n3A, %add3A_155, %dma_wait3A_272] : memref<16x8x4096xf32, #tpu.memory_space<hbm>> -> memref<1x1x2048xf32, #tpu.memory_space<hbm>>
    %dma_wait3A_274 = tpu.memref_squeeze %dma_wait3A_273 : memref<1x1x2048xf32, #tpu.memory_space<hbm>> -> memref<2048xf32, #tpu.memory_space<hbm>>
    %dma_wait3A_275 = arith.constant 0 : i32
    %dma_wait3A_276 = tpu.memref_slice %arg13[%dma_wait3A_275] : memref<16384xf32, #tpu.memory_space<vmem>> -> memref<2048xf32, #tpu.memory_space<vmem>>
    tpu.wait_dma2 semaphore(%arg14 : memref<!tpu.dma_semaphore, #tpu.memory_space<semaphore_mem>>) src(%dma_wait3A_276 : memref<2048xf32, #tpu.memory_space<vmem>>) dst(%dma_wait3A_274 : memref<2048xf32, #tpu.memory_space<hbm>>)
    %dma_wait3A_277 = arith.constant 4096 : i32
    %dma_wait3A_278 = tpu.memref_slice %arg13[%dma_wait3A_277] : memref<16384xf32, #tpu.memory_space<vmem>> -> memref<2048xf32, #tpu.memory_space<vmem>>
    %dma_wait3A_279 = arith.constant 0 : i32
    %dma_wait3A_280 = tpu.memref_slice %arg6[%select_n3A, %add3A_169, %dma_wait3A_279] : memref<16x8x4096xf32, #tpu.memory_space<hbm>> -> memref<1x1x2048xf32, #tpu.memory_space<hbm>>
    %dma_wait3A_281 = tpu.memref_squeeze %dma_wait3A_280 : memref<1x1x2048xf32, #tpu.memory_space<hbm>> -> memref<2048xf32, #tpu.memory_space<hbm>>
    %dma_wait3A_282 = arith.constant 0 : i32
    %dma_wait3A_283 = tpu.memref_slice %arg6[%select_n3A, %add3A_169, %dma_wait3A_282] : memref<16x8x4096xf32, #tpu.memory_space<hbm>> -> memref<1x1x2048xf32, #tpu.memory_space<hbm>>
    %dma_wait3A_284 = tpu.memref_squeeze %dma_wait3A_283 : memref<1x1x2048xf32, #tpu.memory_space<hbm>> -> memref<2048xf32, #tpu.memory_space<hbm>>
    %dma_wait3A_285 = arith.constant 4096 : i32
    %dma_wait3A_286 = tpu.memref_slice %arg13[%dma_wait3A_285] : memref<16384xf32, #tpu.memory_space<vmem>> -> memref<2048xf32, #tpu.memory_space<vmem>>
    tpu.wait_dma2 semaphore(%arg14 : memref<!tpu.dma_semaphore, #tpu.memory_space<semaphore_mem>>) src(%dma_wait3A_286 : memref<2048xf32, #tpu.memory_space<vmem>>) dst(%dma_wait3A_284 : memref<2048xf32, #tpu.memory_space<hbm>>)
    %dma_wait3A_287 = arith.constant 8192 : i32
    %dma_wait3A_288 = tpu.memref_slice %arg13[%dma_wait3A_287] : memref<16384xf32, #tpu.memory_space<vmem>> -> memref<2048xf32, #tpu.memory_space<vmem>>
    %dma_wait3A_289 = arith.constant 0 : i32
    %dma_wait3A_290 = tpu.memref_slice %arg6[%select_n3A, %add3A_183, %dma_wait3A_289] : memref<16x8x4096xf32, #tpu.memory_space<hbm>> -> memref<1x1x2048xf32, #tpu.memory_space<hbm>>
    %dma_wait3A_291 = tpu.memref_squeeze %dma_wait3A_290 : memref<1x1x2048xf32, #tpu.memory_space<hbm>> -> memref<2048xf32, #tpu.memory_space<hbm>>
    %dma_wait3A_292 = arith.constant 0 : i32
    %dma_wait3A_293 = tpu.memref_slice %arg6[%select_n3A, %add3A_183, %dma_wait3A_292] : memref<16x8x4096xf32, #tpu.memory_space<hbm>> -> memref<1x1x2048xf32, #tpu.memory_space<hbm>>
    %dma_wait3A_294 = tpu.memref_squeeze %dma_wait3A_293 : memref<1x1x2048xf32, #tpu.memory_space<hbm>> -> memref<2048xf32, #tpu.memory_space<hbm>>
    %dma_wait3A_295 = arith.constant 8192 : i32
    %dma_wait3A_296 = tpu.memref_slice %arg13[%dma_wait3A_295] : memref<16384xf32, #tpu.memory_space<vmem>> -> memref<2048xf32, #tpu.memory_space<vmem>>
    tpu.wait_dma2 semaphore(%arg14 : memref<!tpu.dma_semaphore, #tpu.memory_space<semaphore_mem>>) src(%dma_wait3A_296 : memref<2048xf32, #tpu.memory_space<vmem>>) dst(%dma_wait3A_294 : memref<2048xf32, #tpu.memory_space<hbm>>)
    %dma_wait3A_297 = arith.constant 12288 : i32
    %dma_wait3A_298 = tpu.memref_slice %arg13[%dma_wait3A_297] : memref<16384xf32, #tpu.memory_space<vmem>> -> memref<2048xf32, #tpu.memory_space<vmem>>
    %dma_wait3A_299 = arith.constant 0 : i32
    %dma_wait3A_300 = tpu.memref_slice %arg6[%select_n3A, %add3A_197, %dma_wait3A_299] : memref<16x8x4096xf32, #tpu.memory_space<hbm>> -> memref<1x1x2048xf32, #tpu.memory_space<hbm>>
    %dma_wait3A_301 = tpu.memref_squeeze %dma_wait3A_300 : memref<1x1x2048xf32, #tpu.memory_space<hbm>> -> memref<2048xf32, #tpu.memory_space<hbm>>
    %dma_wait3A_302 = arith.constant 0 : i32
    %dma_wait3A_303 = tpu.memref_slice %arg6[%select_n3A, %add3A_197, %dma_wait3A_302] : memref<16x8x4096xf32, #tpu.memory_space<hbm>> -> memref<1x1x2048xf32, #tpu.memory_space<hbm>>
    %dma_wait3A_304 = tpu.memref_squeeze %dma_wait3A_303 : memref<1x1x2048xf32, #tpu.memory_space<hbm>> -> memref<2048xf32, #tpu.memory_space<hbm>>
    %dma_wait3A_305 = arith.constant 12288 : i32
    %dma_wait3A_306 = tpu.memref_slice %arg13[%dma_wait3A_305] : memref<16384xf32, #tpu.memory_space<vmem>> -> memref<2048xf32, #tpu.memory_space<vmem>>
    tpu.wait_dma2 semaphore(%arg14 : memref<!tpu.dma_semaphore, #tpu.memory_space<semaphore_mem>>) src(%dma_wait3A_306 : memref<2048xf32, #tpu.memory_space<vmem>>) dst(%dma_wait3A_304 : memref<2048xf32, #tpu.memory_space<hbm>>)
    %dma_wait3A_307 = arith.constant 2048 : i32
    %dma_wait3A_308 = tpu.memref_slice %arg13[%dma_wait3A_307] : memref<16384xf32, #tpu.memory_space<vmem>> -> memref<2048xf32, #tpu.memory_space<vmem>>
    %dma_wait3A_309 = arith.constant 2048 : i32
    %dma_wait3A_310 = tpu.memref_slice %arg6[%select_n3A, %add3A_214, %dma_wait3A_309] : memref<16x8x4096xf32, #tpu.memory_space<hbm>> -> memref<1x1x2048xf32, #tpu.memory_space<hbm>>
    %dma_wait3A_311 = tpu.memref_squeeze %dma_wait3A_310 : memref<1x1x2048xf32, #tpu.memory_space<hbm>> -> memref<2048xf32, #tpu.memory_space<hbm>>
    %dma_wait3A_312 = arith.constant 2048 : i32
    %dma_wait3A_313 = tpu.memref_slice %arg6[%select_n3A, %add3A_214, %dma_wait3A_312] : memref<16x8x4096xf32, #tpu.memory_space<hbm>> -> memref<1x1x2048xf32, #tpu.memory_space<hbm>>
    %dma_wait3A_314 = tpu.memref_squeeze %dma_wait3A_313 : memref<1x1x2048xf32, #tpu.memory_space<hbm>> -> memref<2048xf32, #tpu.memory_space<hbm>>
    %dma_wait3A_315 = arith.constant 2048 : i32
    %dma_wait3A_316 = tpu.memref_slice %arg13[%dma_wait3A_315] : memref<16384xf32, #tpu.memory_space<vmem>> -> memref<2048xf32, #tpu.memory_space<vmem>>
    tpu.wait_dma2 semaphore(%arg14 : memref<!tpu.dma_semaphore, #tpu.memory_space<semaphore_mem>>) src(%dma_wait3A_316 : memref<2048xf32, #tpu.memory_space<vmem>>) dst(%dma_wait3A_314 : memref<2048xf32, #tpu.memory_space<hbm>>)
    %dma_wait3A_317 = arith.constant 6144 : i32
    %dma_wait3A_318 = tpu.memref_slice %arg13[%dma_wait3A_317] : memref<16384xf32, #tpu.memory_space<vmem>> -> memref<2048xf32, #tpu.memory_space<vmem>>
    %dma_wait3A_319 = arith.constant 2048 : i32
    %dma_wait3A_320 = tpu.memref_slice %arg6[%select_n3A, %add3A_228, %dma_wait3A_319] : memref<16x8x4096xf32, #tpu.memory_space<hbm>> -> memref<1x1x2048xf32, #tpu.memory_space<hbm>>
    %dma_wait3A_321 = tpu.memref_squeeze %dma_wait3A_320 : memref<1x1x2048xf32, #tpu.memory_space<hbm>> -> memref<2048xf32, #tpu.memory_space<hbm>>
    %dma_wait3A_322 = arith.constant 2048 : i32
    %dma_wait3A_323 = tpu.memref_slice %arg6[%select_n3A, %add3A_228, %dma_wait3A_322] : memref<16x8x4096xf32, #tpu.memory_space<hbm>> -> memref<1x1x2048xf32, #tpu.memory_space<hbm>>
    %dma_wait3A_324 = tpu.memref_squeeze %dma_wait3A_323 : memref<1x1x2048xf32, #tpu.memory_space<hbm>> -> memref<2048xf32, #tpu.memory_space<hbm>>
    %dma_wait3A_325 = arith.constant 6144 : i32
    %dma_wait3A_326 = tpu.memref_slice %arg13[%dma_wait3A_325] : memref<16384xf32, #tpu.memory_space<vmem>> -> memref<2048xf32, #tpu.memory_space<vmem>>
    tpu.wait_dma2 semaphore(%arg14 : memref<!tpu.dma_semaphore, #tpu.memory_space<semaphore_mem>>) src(%dma_wait3A_326 : memref<2048xf32, #tpu.memory_space<vmem>>) dst(%dma_wait3A_324 : memref<2048xf32, #tpu.memory_space<hbm>>)
    %dma_wait3A_327 = arith.constant 10240 : i32
    %dma_wait3A_328 = tpu.memref_slice %arg13[%dma_wait3A_327] : memref<16384xf32, #tpu.memory_space<vmem>> -> memref<2048xf32, #tpu.memory_space<vmem>>
    %dma_wait3A_329 = arith.constant 2048 : i32
    %dma_wait3A_330 = tpu.memref_slice %arg6[%select_n3A, %add3A_242, %dma_wait3A_329] : memref<16x8x4096xf32, #tpu.memory_space<hbm>> -> memref<1x1x2048xf32, #tpu.memory_space<hbm>>
    %dma_wait3A_331 = tpu.memref_squeeze %dma_wait3A_330 : memref<1x1x2048xf32, #tpu.memory_space<hbm>> -> memref<2048xf32, #tpu.memory_space<hbm>>
    %dma_wait3A_332 = arith.constant 2048 : i32
    %dma_wait3A_333 = tpu.memref_slice %arg6[%select_n3A, %add3A_242, %dma_wait3A_332] : memref<16x8x4096xf32, #tpu.memory_space<hbm>> -> memref<1x1x2048xf32, #tpu.memory_space<hbm>>
    %dma_wait3A_334 = tpu.memref_squeeze %dma_wait3A_333 : memref<1x1x2048xf32, #tpu.memory_space<hbm>> -> memref<2048xf32, #tpu.memory_space<hbm>>
    %dma_wait3A_335 = arith.constant 10240 : i32
    %dma_wait3A_336 = tpu.memref_slice %arg13[%dma_wait3A_335] : memref<16384xf32, #tpu.memory_space<vmem>> -> memref<2048xf32, #tpu.memory_space<vmem>>
    tpu.wait_dma2 semaphore(%arg14 : memref<!tpu.dma_semaphore, #tpu.memory_space<semaphore_mem>>) src(%dma_wait3A_336 : memref<2048xf32, #tpu.memory_space<vmem>>) dst(%dma_wait3A_334 : memref<2048xf32, #tpu.memory_space<hbm>>)
    %dma_wait3A_337 = arith.constant 14336 : i32
    %dma_wait3A_338 = tpu.memref_slice %arg13[%dma_wait3A_337] : memref<16384xf32, #tpu.memory_space<vmem>> -> memref<2048xf32, #tpu.memory_space<vmem>>
    %dma_wait3A_339 = arith.constant 2048 : i32
    %dma_wait3A_340 = tpu.memref_slice %arg6[%select_n3A, %add3A_256, %dma_wait3A_339] : memref<16x8x4096xf32, #tpu.memory_space<hbm>> -> memref<1x1x2048xf32, #tpu.memory_space<hbm>>
    %dma_wait3A_341 = tpu.memref_squeeze %dma_wait3A_340 : memref<1x1x2048xf32, #tpu.memory_space<hbm>> -> memref<2048xf32, #tpu.memory_space<hbm>>
    %dma_wait3A_342 = arith.constant 2048 : i32
    %dma_wait3A_343 = tpu.memref_slice %arg6[%select_n3A, %add3A_256, %dma_wait3A_342] : memref<16x8x4096xf32, #tpu.memory_space<hbm>> -> memref<1x1x2048xf32, #tpu.memory_space<hbm>>
    %dma_wait3A_344 = tpu.memref_squeeze %dma_wait3A_343 : memref<1x1x2048xf32, #tpu.memory_space<hbm>> -> memref<2048xf32, #tpu.memory_space<hbm>>
    %dma_wait3A_345 = arith.constant 14336 : i32
    %dma_wait3A_346 = tpu.memref_slice %arg13[%dma_wait3A_345] : memref<16384xf32, #tpu.memory_space<vmem>> -> memref<2048xf32, #tpu.memory_space<vmem>>
    tpu.wait_dma2 semaphore(%arg14 : memref<!tpu.dma_semaphore, #tpu.memory_space<semaphore_mem>>) src(%dma_wait3A_346 : memref<2048xf32, #tpu.memory_space<vmem>>) dst(%dma_wait3A_344 : memref<2048xf32, #tpu.memory_space<hbm>>)
    return
  }
}

</mosaic_0001>

<sc_bundles>
// kernel: kernel.3.cloned.1.call-start
scs
__scs_entry_jumppad:
0x0: {  	(pc) =	sbr.rel $0x88, $3  }
0x1: {  	(tag) =	ssettag $0x0;
	lr =	simm.s32 $0x1  }
0x2: {  	[smem:$0x3F9D] =	sst lr;
	_ =	strace $0xD0000000  }
0x3: {  	_ = 	snop  }
0x4: {  	_ = 	snop  }
0x5: {  	_ = 	snop  }
0x6: {  	_ = 	snop  }
0x7: {  	_ = 	snop  }
__scs_overlays_trampoline_lowered:
0x8: {  	[smem:$0x3FAC] =	sst s0  }
0x9: {  	[smem:$0x3FAD] =	sst s1  }
0xa: {  	[smem:$0x3FAE] =	sst s2  }
0xb: {  	[smem:$0x3FAF] =	sst s3  }
0xc: {  	[smem:$0x3FB0] =	sst s4  }
0xd: {  	[smem:$0x3FB1] =	sst s5  }
0xe: {  	[smem:$0x3FB2] =	sst s6  }
0xf: {  	[smem:$0x3FB3] =	sst s7  }
0x10: {  	[smem:$0x3FB4] =	sst s8  }
0x11: {  	[smem:$0x3FB5] =	sst s9;
	s0 =	simm.s32 @!p0 $0x0  }
0x12: {  	s1 =	sld [smem:$0x3F9B];
	s0 =	simm.s32 @p0 $0x1  }
0x13: {  	[smem:$0x3FB6] =	sst s0;
	s0 =	simm.s32 @!p1 $0x0  }
0x14: {  	s2 =	sld [smem:$0x3F9A];
	s0 =	simm.s32 @p1 $0x1  }
0x15: {  	[smem:$0x3FB7] =	sst s0;
	s0 =	simm.s32 @!p2 $0x0  }
0x16: {  	s3 =	sld [smem:$0x3FDB];
	s0 =	simm.s32 @p2 $0x1  }
0x17: {  	s4 =	simm.s32 $0x1BF5;
	[smem:$0x3FB9] =	sst s0  }
0x18: {  	s0 =	sld [smem:$0x3F9C];
	_ =	swait.ge [sflag:s4], $0x0  }
0x19: {  	s7 =	sld [smem:$0x3F9D]  }
0x1a: {  	s8 =	sadd.s32 $0xFFFFE003, lr  }
0x1b: {  	s9 =	sadd.s32 $0xFFFFFEF7, lr;
	s5 =	simm.s32 $0xFFFFFFFF;
	p2 =	slt.u32 s8, $0xFFFFF086  }
0x1c: {  	p1 =	slt.u32 s9, $0xF7A;
	s5 =	simm.s32 @!p2 $0x0  }
0x1d: {  	s5 =	simm.s32 @p1 $0x1;
	p0 =	seq.s32 s7, s2  }
0x1e: {  	s7 =	smul.u32 @!p0 $0xF7A, s2;
	p2 =	seq.s32 @!p0 s5, $0x0  }
0x1f: {  	s9 =	smul.u32 $0xF7A, s1;
	s8 =	simm.s32 @!p0 $0x1BF5;
	p2 =	por !p2, p0  }
0x20: {  	[sflag:s8] =	ssyncset.s32 @!p0 $0xFFFFF086;
	s6 =	sadd.s32 @!p0 s3, s7;
	s7 =	simm.s32 @!p0 $0x108  }
0x21: {  	s3 =	sadd.s32 s3, s9;
	s6 =	sadd.s32 @!p0 $0x88, s6;
	s7 =	simm.s32 @p2 $0x1082  }
0x22: {  	[simem:s7], [sflag:s8] =	dma.local @!p0 [hbm:s6], $0xF7A  }
0x23: {  	s9 =	sor.u32 $0xD0000000, s2;
	s6 =	simm.s32 $0x108;
	_ =	swait.ge @!p0 [sflag:s8], $0x0  }
0x24: {  	s3 =	sadd.s32 $0x88, s3;
	s6 =	simm.s32 @!p1 $0x1082;
	[sflag:s4] =	ssyncset.s32 $0xFFFFF086  }
0x25: {  	[simem:s6], [sflag:s4] =	dma.local [hbm:s3], $0xF7A  }
0x26: {  	[smem:$0x3F9D] =	sst s1;
	(tag) =	ssettag s2;
	_ =	strace s9  }
0x27: {  	s1 =	sld [smem:$0x3FAD]  }
0x28: {  	s2 =	sld [smem:$0x3FAE]  }
0x29: {  	s4 =	sld [smem:$0x3FB0]  }
0x2a: {  	p0 =	seq.s32 s5, $0x0;
	s5 =	sld [smem:$0x3FB1]  }
0x2b: {  	s6 =	sld [smem:$0x3FB2]  }
0x2c: {  	s7 =	sld [smem:$0x3FB3]  }
0x2d: {  	s3 =	simm.s32 $0x108;
	s8 =	sld [smem:$0x3FB4]  }
0x2e: {  	s3 =	simm.s32 @!p0 $0x1082;
	s9 =	sld [smem:$0x3FB5]  }
0x2f: {  	lr =	sadd.s32 s0, s3;
	s0 =	sld [smem:$0x3FAC]  }
0x30: {  	s3 =	sld [smem:$0x3FAF]  }
0x31: {  	[smem:$0x3FB8] =	sst s10  }
0x32: {  	s10 =	sld [smem:$0x3FB6];
	_ =	sdelay $0x3  }
0x33: {  	p0 =	seq.s32 s10, $0x1;
	s10 =	sld [smem:$0x3FB8];
	_ =	sdelay $0x3  }
0x34: {  	[smem:$0x3FB8] =	sst s10  }
0x35: {  	s10 =	sld [smem:$0x3FB7];
	_ =	sdelay $0x3  }
0x36: {  	p1 =	seq.s32 s10, $0x1;
	s10 =	sld [smem:$0x3FB8];
	_ =	sdelay $0x3  }
0x37: {  	[smem:$0x3FB8] =	sst s10  }
0x38: {  	s10 =	sld [smem:$0x3FB9]  }
0x39: {  	_ = 	snop;
	(pc) =	sbr.ind lr, $3  }
0x3a: {  	_ = 	snop  }
0x3b: {  	_ = 	snop  }
0x3c: {  	p2 =	seq.s32 s10, $0x1;
	s10 =	sld [smem:$0x3FB8]  }
0x3d: {  	_ =	shalt  }
0x3e: {  	_ =	shalt  }
0x3f: {  	_ =	shalt  }
0x40: {  	_ =	shalt  }
0x41: {  	_ =	shalt  }
0x42: {  	_ =	shalt  }
0x43: {  	_ =	shalt  }
0x44: {  	_ =	shalt  }
0x45: {  	_ =	shalt  }
0x46: {  	_ =	shalt  }
0x47: {  	_ =	shalt  }
0x48: {  	_ =	shalt  }
0x49: {  	_ =	shalt  }
0x4a: {  	_ =	shalt  }
0x4b: {  	_ =	shalt  }
0x4c: {  	_ =	shalt  }
0x4d: {  	_ =	shalt  }
0x4e: {  	_ =	shalt  }
0x4f: {  	_ =	shalt  }
0x50: {  	_ =	shalt  }
0x51: {  	_ =	shalt  }
0x52: {  	_ =	shalt  }
0x53: {  	_ =	shalt  }
0x54: {  	_ =	shalt  }
0x55: {  	_ =	shalt  }
0x56: {  	_ =	shalt  }
0x57: {  	_ =	shalt  }
0x58: {  	_ =	shalt  }
0x59: {  	_ =	shalt  }
0x5a: {  	_ =	shalt  }
0x5b: {  	_ =	shalt  }
0x5c: {  	_ =	shalt  }
0x5d: {  	_ =	shalt  }
0x5e: {  	_ =	shalt  }
0x5f: {  	_ =	shalt  }
0x60: {  	_ =	shalt  }
0x61: {  	_ =	shalt  }
0x62: {  	_ =	shalt  }
0x63: {  	_ =	shalt  }
0x64: {  	_ =	shalt  }
0x65: {  	_ =	shalt  }
0x66: {  	_ =	shalt  }
0x67: {  	_ =	shalt  }
0x68: {  	_ =	shalt  }
0x69: {  	_ =	shalt  }
0x6a: {  	_ =	shalt  }
0x6b: {  	_ =	shalt  }
0x6c: {  	_ =	shalt  }
0x6d: {  	_ =	shalt  }
0x6e: {  	_ =	shalt  }
0x6f: {  	_ =	shalt  }
0x70: {  	_ =	shalt  }
0x71: {  	_ =	shalt  }
0x72: {  	_ =	shalt  }
0x73: {  	_ =	shalt  }
0x74: {  	_ =	shalt  }
0x75: {  	_ =	shalt  }
0x76: {  	_ =	shalt  }
0x77: {  	_ =	shalt  }
0x78: {  	_ =	shalt  }
0x79: {  	_ =	shalt  }
0x7a: {  	_ =	shalt  }
0x7b: {  	_ =	shalt  }
0x7c: {  	_ =	shalt  }
0x7d: {  	_ =	shalt  }
0x7e: {  	_ =	shalt  }
0x7f: {  	_ =	shalt  }
0x80: {  	_ =	shalt  }
0x81: {  	_ =	shalt  }
0x82: {  	_ =	shalt  }
0x83: {  	_ =	shalt  }
0x84: {  	_ =	shalt  }
0x85: {  	_ =	shalt  }
0x86: {  	_ =	shalt  }
0x87: {  	_ =	shalt  }
.Lfunc_end0:
.L_simem_size_0:
called_computation_lowered:
.L_overlay_start_0:
0x88: {  	s2 =	sld [smem:$0x3FD9]  }
0x89: {  	s3 =	sld [smem:$0x3FFE];
	_ =	sdelay $0x1  }
0x8a: {  	s1 =	srdreg.scid  }
0x8b: {  	s0 =	sand.u32 $0x1, s1  }
0x8c: {  	s18 =	sshll.u32 s0, $0xA;
	s2 =	sadd.s32 s3, s2  }
0x8d: {  	s2 =	sadd.s32 s2, s18  }
0x8e: {  	[smem:$0x3FC4] =	sst s2  }
0x8f: {  	_ = 	snop  }
0x90: {  	s2 =	sld [smem:$0x3FC9]  }
0x91: {  	s19 =	sld [smem:$0x3FC8]  }
0x92: {  	s4 =	sld [smem:$0x3FC7]  }
0x93: {  	s5 =	sld [smem:$0x3FC6]  }
0x94: {  	s6 =	sld [smem:$0x3FD0];
	(tm) =	ssettm $0x1  }
0x95: {  	s7 =	sld [smem:$0x3FFB];
	_ =	sdelay $0x3  }
0x96: {  	_ =	strace s7  }
0x97: {  	s7 =	sld [smem:$0x3FFC];
	_ =	sdelay $0x3  }
0x98: {  	_ =	strace s7  }
0x99: {  	s7 =	sld [smem:$0x3FFD];
	_ =	sdelay $0x3  }
0x9a: {  	_ =	strace s7  }
0x9b: {  	_ =	strace $0x8FFFFFFF  }
0x9c: {  	s20 =	sld [smem:$0x3FDB];
	_ =	sdelay $0x1  }
0x9d: {  	s8 =	simm.s32 $_scs_section_size  }
0x9e: {  	s9 =	simm.s32 $_size__tile_overlayer_lowered;
	s10 =	simm.s32 $_tile_overlayer_lowered  }
0x9f: {  	s23 =	simm.s32 $0x1BFF;
	s22 =	sshll.u32 s10, $0x1;
	s7 =	sadd.s32 s8, s20  }
0xa0: {  	s11 =	simm.s32 $0x0;
	s21 =	sshll.u32 s9, $0x1;
	s9 =	sadd.s32 s22, s7  }
0xa1: {  	[timem:s11], [sflag:s23] =	dma.local [hbm:s9], s21  }
0xa2: {  	_ =	swait.ge [sflag:s23], s21  }
0xa3: {  	s8 =	ssub.s32 $0x0, s21;
	[sflag:s23] =	ssyncset.done $0x0  }
0xa4: {  	[sflag:s23] =	ssyncadd.s32 s8;
	_ =	sdelay $0x1  }
0xa5: {  	s24 =	simm.s32 $0x1B8B  }
0xa6: {  	_ =	swait.ge [sflag:s24], $0x1  }
0xa7: {  	[sflag:s24] =	ssyncset.done $0x0  }
0xa8: {  	s25 =	simm.s32 $0x1B8E;
	[sflag:s24] =	ssyncadd.s32 $0xFFFFFFFF  }
0xa9: {  	s26 =	simm.s32 $execute0_lowered;
	[smem:$0x3FD2] =	sst s25  }
0xaa: {  	s8 =	sshll.u32 s26, $0x1;
	_ =	strace $0x80000046;
	[dreg:$0x1] =	wrdreg $0xFFFFFFFF  }
0xab: {  	s28 =	simm.s32 $_size_execute0_lowered;
	s7 =	sadd.s32 s7, s8;
	[dreg:$0x0] =	wrdreg $0x0  }
0xac: {  	s8 =	sshll.u32 s28, $0x1;
	[dreg:$0x2] =	wrdreg s7  }
0xad: {  	[dreg:$0x3] =	wrdreg s8  }
0xae: {  	[dreg:$0x4] =	wrdreg $0xC0  }
0xaf: {  	_ =	task [dreg:s11], $0x5FFFF  }
0xb0: {  	[dreg:$0x1] =	wrdreg $0xFFFFFFFF  }
0xb1: {  	[dreg:$0x0] =	wrdreg $0x60  }
0xb2: {  	[dreg:$0x2] =	wrdreg s2  }
0xb3: {  	[dreg:$0x3] =	wrdreg s19  }
0xb4: {  	[dreg:$0x4] =	wrdreg s4  }
0xb5: {  	[dreg:$0x5] =	wrdreg s5  }
0xb6: {  	[dreg:$0x6] =	wrdreg s6  }
0xb7: {  	[dreg:$0x7] =	wrdreg $0x9  }
0xb8: {  	_ =	task.clear_ibuf [dreg:s11], $0x8FFFF;
	_ =	strace $0x90000046  }
0xb9: {  	s29 =	simm.s32 $0x9;
	_ =	strace $0x80000048  }
0xba: {  	_ =	swait.ge [sflag:s29], $0x1  }
0xbb: {  	[sflag:s29] =	ssyncadd.s32 $0xFFFFFFFF  }
0xbc: {  	_ =	strace $0x90000048  }
0xbd: {  	_ =	sfence  }
0xbe: {  	s30 =	sld [smem:$0x0];
	_ =	sdelay $0x2  }
0xbf: {  	s31 =	sshll.u32 s1, $0xD;
	s1 =	sshrl.u32 s1, $0x2  }
0xc0: {  	s3 =	sand.u32 $0x4000, s31;
	s1 =	sadd.s32 s1, s30  }
0xc1: {  	s0 =	sor.u32 s3, s0;
	s1 =	sshll.u32 s1, $0x11  }
0xc2: {  	s0 =	sor.u32 s1, s0  }
0xc3: {  	s0 =	sadd.s32 $0x8F2B, s0  }
0xc4: {  	[sflag:s0] =	ssyncadd.remote.s32 $0x1  }
0xc5: {  	_ =	sfence.sel $0xFFFF  }
0xc6: {  	[dreg:$0x0] =	wrdreg $0xFFFFFFFF;
	(pc) =	sbr.abs _section_cstart, $3  }
0xc7: {  	[dreg:$0x1] =	wrdreg $0xFFFFFFFF  }
0xc8: {  	_ =	task.clear_ibuf [dreg:s11], $0x2FFFF;
	_ =	strace $0x9FFFFFFF  }
0xc9: {  	(tm) =	ssettm $0x7FFFFFFF  }
tec
execute0_lowered:
.L_overlay_start_1:
0x0: {  	(tag) =	ssettag $0x1  }
0x1: {  	s0 =	srdreg.scid;
	s2 =	rddreg [dreg:$0x0]  }
0x2: {  	s4 =	stileid.u32;
	s3 =	rddreg [dreg:$0x4]  }
0x3: {  	s5 =	simm.s32 $0x0;
	s17 =	simm.s32 $0x80;
	s18 =	simm.s32 $0x400  }
0x4: {  	s19 =	simm.s32 $0x2000;
	s28 =	simm.s32 $0x2A00;
	s29 =	simm.s32 $0x3A00  }
0x5: {  	s30 =	simm.s32 $0x4A00;
	s31 =	simm.s32 $0x5A00;
	s0 =	sand.u32 $0x1, s0  }
0x6: {  	[smem:$0x7FF] =	sst s5;
	s15 =	sadd.s32 $0x800, s3;
	s1 =	sor.u32 s0, s4  }
0x7: {  	p1 =	seq.s32 s0, $0x1;
	s7 =	ssub.s32 $0x2, s0;
	_ =	strace $0x80000047  }
0x8: {  	s21 =	sshll.u32 s0, $0x2;
	s8 =	sshll.u32 s0, $0x9;
	s0 =	sshllo.u32 s0, $0x2  }
0x9: {  	p0 =	seq.s32 s1, $0x0;
	s1 =	simm.s32 $0x1;
	s20 =	sshrl.u32 s7, $0x1  }
0xa: {  	v1 =	vimm.s32 $0xBA98FEDC;
	s24 =	sor.u32 $0x1, s21;
	s23 =	sor.u32 $0x2, s21;
	p0 =	por !p0, !p1  }
0xb: {  	v2 =	vimm.s32 $0x76543210;
	v4 =	vunpack.c.l.s4.s8 v1;
	v1 =	vmov s21;
	s11 =	sshll.u32 s0, $0x7;
	s21 =	simm.s32 $0x2100;
	p0 =	por !p0, !p0  }
0xc: {  	v3 =	vimm.s32 $0xFEDCBA98;
	v6 =	vimm.s32 $0xDCFE98BA;
	v7 =	vimm.s32 $0x54761032;
	s16 =	ssub.s32 s7, s20;
	s9 =	sshll.u32 s24, $0x7;
	s1 =	simm.s32 @!p0 $0x0  }
0xd: {  	v5 =	vunpack.c.l.s4.s8 v2;
	v2 =	vunpack.c.l.s4.s8 v3;
	v6 =	vunpack.c.l.s4.s8 v6;
	s26 =	sshll.u32 s23, $0x7;
	s20 =	simm.s32 $0x2080;
	s1 =	ssub.s32 s4, s1  }
0xe: {  	v7 =	vunpack.c.l.s4.s8 v7;
	v3 =	vunpack.c.0.s8.s32 v4;
	v4 =	vimm.s32 $0x32107654;
	s16 =	smax.u32 s16, $0x1;
	s4 =	sshll.u32 s1, $0xC;
	s6 =	sshll.u32 s1, $0x7  }
0xf: {  	v8 =	vimm.s32 $0xEFCDAB89;
	v4 =	vunpack.c.l.s4.s8 v4;
	s22 =	sshll.u32 s1, $0xF;
	s4 =	sand.u32 $0xFFFF8000, s4;
	s6 =	sand.u32 $0x380, s6  }
0x10: {  	v9 =	vimm.s32 $0x67452301;
	v6 =	vunpack.c.0.s8.s32 v6;
	v7 =	vunpack.c.0.s8.s32 v7;
	s8 =	sor.u32 s8, s22;
	s25 =	sor.u32 s9, s22;
	s10 =	sor.u32 s26, s22  }
0x11: {  	v8 =	vunpack.c.l.s4.s8 v8;
	v9 =	vunpack.c.l.s4.s8 v9;
	v4 =	vunpack.c.0.s8.s32 v4;
	s26 =	simm.s32 $0x5200;
	s4 =	sor.u32 s6, s4;
	s6 =	simm.s32 $0x1  }
0x12: {  	v10 =	vunpack.c.0.s8.s32 v2;
	v5 =	vunpack.c.0.s8.s32 v5;
	v7 =	vcombine.low v7, v6;
	s12 =	sshrl.u32 s8, $0x3;
	s14 =	sshrl.u32 s10, $0x3;
	s4 =	sshrl.u32 s4, $0x3  }
0x13: {  	v11 =	vcombine.low v4, v3;
	v4 =	vunpack.c.0.s8.s32 v8;
	v8 =	vunpack.c.0.s8.s32 v9;
	s8 =	sadd.s32 s3, s12;
	s10 =	sadd.s32 s3, s14;
	s12 =	sadd.s32 s12, s15  }
0x14: {  	v2 =	vmov s24;
	v6 =	vand.u32 $0xF, v10;
	s14 =	sadd.s32 s14, s15;
	s7 =	sadd.s32 s2, s4;
	s2 =	sshrl.u32 s25, $0x3  }
0x15: {  	v5 =	vcombine.low v6, v5;
	v7 =	vand.u32 $0xF, v7;
	v8 =	vcombine.low v8, v4;
	s4 =	sor.u32 s11, s22;
	s22 =	simm.s32 $0x2180;
	s25 =	simm.s32 $0x4200  }
0x16: {  	v0 =	vmov s1;
	v3 =	vmov s23;
	v9 =	vlaneseq.u32;
	s9 =	sadd.s32 s3, s2;
	s4 =	sshrl.u32 s4, $0x3;
	s13 =	sadd.s32 s2, s15  }
0x17: {  	v4 =	vmov s0;
	v6 =	vand.u32 $0xF, v11;
	v8 =	vand.u32 $0xF, v8;
	s11 =	sadd.s32 s3, s4;
	s15 =	sadd.s32 s4, s15;
	s3 =	simm.s32 $0x0  }
.LBB2_1:
0x18: {  	[tilespmem:s5], [sflag:$0x1] =	stream.strided.gather [hbm4b:s7+s17], $0x1000, s18, s17, $0x38;
	[tilespmem:$0x6200] =	vst v63  }
0x19: {  	s0 =	rddreg [dreg:$0x1]  }
0x1a: {  	[tilespmem:s19], [sflag:$0x1] =	stream.linear.gather [hbm4b:s0+s5], $0x80, $0x38;
	[tilespmem:$0x6200] =	vst v63  }
0x1b: {  	s1 =	rddreg [dreg:$0x2]  }
0x1c: {  	[tilespmem:s20], [sflag:$0x1] =	stream.linear.gather [hbm4b:s1+s5], $0x80, $0x38;
	[tilespmem:$0x6200] =	vst v63  }
0x1d: {  	s2 =	rddreg [dreg:$0x3]  }
0x1e: {  	[tilespmem:s21], [sflag:$0x1] =	stream.linear.gather [hbm4b:s2+s5], $0x80, $0x38;
	[tilespmem:$0x6200] =	vst v63  }
0x1f: {  	_ =	swait.ge [sflag:s6], $0x1000  }
0x20: {  	[sflag:s6] =	ssyncset.done $0x0  }
0x21: {  	[sflag:s6] =	ssyncadd.s32 $0xFFFFF000  }
0x22: {  	_ =	swait.ge [sflag:s6], $0x80  }
0x23: {  	[sflag:s6] =	ssyncset.done $0x0  }
0x24: {  	[sflag:s6] =	ssyncadd.s32 $0xFFFFFF80  }
0x25: {  	_ =	swait.ge [sflag:s6], $0x80  }
0x26: {  	[sflag:s6] =	ssyncset.done $0x0  }
0x27: {  	[sflag:s6] =	ssyncadd.s32 $0xFFFFFF80  }
0x28: {  	_ =	swait.ge [sflag:s6], $0x80  }
0x29: {  	[sflag:s6] =	ssyncset.done $0x0  }
0x2a: {  	s4 =	simm.s32 $0x10;
	[sflag:s6] =	ssyncadd.s32 $0xFFFFFF80  }
0x2b: {  	v15 =	vld [tilespmem:s4+$0x0]  }
0x2c: {  	s23 =	simm.s32 $0x30;
	v16 =	vld [tilespmem:s4+$0xFFFFFFF0]  }
0x2d: {  	v18 =	vld [tilespmem:s23+$0x0]  }
0x2e: {  	v11 =	vld [tilespmem:s23+$0xFFFFFFF0];
	_ =	sdelay $0x1  }
0x2f: {  	v10 =	vcvt.s32.f32 v15  }
0x30: {  	v12 =	vcvt.s32.f32 v16  }
0x31: {  	v13 =	vcvt.s32.f32 v18;
	v10 =	vmul.f32 $1.157407410e-05, v10  }
0x32: {  	v14 =	vcvt.s32.f32 v11;
	v12 =	vmul.f32 $1.157407410e-05, v12  }
0x33: {  	v13 =	vmul.f32 $1.157407410e-05, v13;
	v10 =	vtrunc.f32 v10  }
0x34: {  	v14 =	vmul.f32 $1.157407410e-05, v14;
	v10 =	vcvt.f32.s32 v10  }
0x35: {  	v12 =	vtrunc.f32 v12;
	v13 =	vtrunc.f32 v13  }
0x36: {  	v12 =	vcvt.f32.s32 v12;
	v10 =	vcvt.s32.f32 v10  }
0x37: {  	v20 =	vtrunc.f32 v14;
	v13 =	vcvt.f32.s32 v13  }
0x38: {  	v12 =	vcvt.s32.f32 v12;
	v10 =	vmul.f32 $6.750000000e+02, v10  }
0x39: {  	v20 =	vcvt.f32.s32 v20;
	v17 =	vcvt.s32.f32 v13  }
0x3a: {  	v12 =	vmul.f32 $6.750000000e+02, v12;
	v10 =	vmul.f32 $1.280000000e+02, v10  }
0x3b: {  	s24 =	simm.s32 $0x50;
	v23 =	vcvt.s32.f32 v20;
	v17 =	vmul.f32 $6.750000000e+02, v17  }
0x3c: {  	v13 =	vld [tilespmem:s24+$0x0];
	v21 =	vmul.f32 $1.280000000e+02, v12;
	v10 =	vtrunc.f32 v10  }
0x3d: {  	v12 =	vld [tilespmem:s24+$0xFFFFFFF0];
	v17 =	vmul.f32 $1.280000000e+02, v17;
	v19 =	vcvt.f32.s32 v10;
	_ =	sdelay $0x1  }
0x3e: {  	v23 =	vmul.f32 $6.750000000e+02, v23;
	v17 =	vtrunc.f32 v17;
	v15 =	vsub.s32 v15, v19  }
0x3f: {  	v19 =	vtrunc.f32 v21;
	v21 =	vadd.s32 $0x15180, v15;
	vm0 =	vlt.s32 v15, $0x0  }
0x40: {  	v19 =	vcvt.f32.s32 v19;
	v15 =	vsel vm0, v21, v15;
	v21 =	vcvt.s32.f32 v13  }
0x41: {  	v14 =	vimm.f32 $+Inf;
	v24 =	vcvt.f32.s32 v17;
	v22 =	vcvt.s32.f32 v12  }
0x42: {  	v10 =	vimm.f32 $-Inf;
	v16 =	vsub.s32 v16, v19;
	v19 =	vmul.f32 $1.157407410e-05, v21  }
0x43: {  	v18 =	vsub.s32 v18, v24;
	vm0 =	vgt.s32 v15, $0x1517F;
	v21 =	vmul.f32 $1.157407410e-05, v22  }
0x44: {  	vm1 =	vlt.s32 v16, $0x0;
	v22 =	vadd.s32 $0x15180, v16;
	v19 =	vtrunc.f32 v19  }
0x45: {  	v17 =	vadd.s32 $0xFFFEAE80, v15;
	v20 =	vsel vm1, v22, v16;
	v19 =	vcvt.f32.s32 v19  }
0x46: {  	s0 =	simm.s32 $0x1010;
	v16 =	vtrunc.f32 v21;
	v21 =	vadd.s32 $0xFFFEAE80, v20;
	vm1 =	vgt.s32 v20, $0x1517F  }
0x47: {  	s1 =	simm.s32 $0x1010;
	s2 =	simm.s32 $0x4;
	s4 =	simm.s32 $0x70;
	v16 =	vcvt.f32.s32 v16;
	v22 =	vcvt.s32.f32 v19;
	v19 =	vadd.s32 $0x15180, v18  }
.LBB2_2:
0x48: {  	v24 =	vld [tilespmem:s4+$0x0];
	s2 =	sadd.s32 $0x2, s2;
	v23 =	vmul.f32 $1.280000000e+02, v23;
	v20 =	vsel vm1, v21, v20;
	v15 =	vsel vm0, v17, v15;
	s0 =	sadd.s32 $0x20, s0  }
0x49: {  	v17 =	vld [tilespmem:s4+$0xFFFFFFF0];
	p0 =	slt.u32 s2, $0xFE;
	v21 =	vmul.f32 $6.750000000e+02, v22;
	v20 =	vcvt.s32.f32 v20  }
0x4a: {  	vm0 =	vlt.s32 v18, $0x0;
	v22 =	vtrunc.f32 v23;
	v23 =	vcvt.s32.f32 v15  }
0x4b: {  	v21 =	vmul.f32 $1.280000000e+02, v21;
	v22 =	vcvt.f32.s32 v22;
	[tilespmem:s1+$0xFFFFFFF0] =	vst v20;
	v14 =	vmin.f32 v14, v20  }
0x4c: {  	v15 =	vsel vm0, v19, v18;
	v10 =	vmax.f32 v10, v20;
	[tilespmem:s1+$0x0] =	vst v23;
	v14 =	vmin.f32 v14, v23;
	s1 =	smov.u32 s0  }
0x4d: {  	v10 =	vmax.f32 v10, v23;
	v18 =	vcvt.s32.f32 v24;
	v19 =	vtrunc.f32 v21  }
0x4e: {  	vm0 =	vgt.s32 v15, $0x1517F;
	v21 =	vsub.s32 v11, v22;
	v11 =	vmovc v12;
	v20 =	vcvt.s32.f32 v17;
	v12 =	vmovc v17  }
0x4f: {  	v19 =	vcvt.f32.s32 v19;
	v17 =	vadd.s32 $0xFFFEAE80, v15;
	v18 =	vmul.f32 $1.157407410e-05, v18  }
.Ltmp0:
0x50: {  	vm1 =	vlt.s32 v21, $0x0;
	v22 =	vmul.f32 $1.157407410e-05, v20;
	v20 =	vadd.s32 $0x15180, v21;
	(pc) =	sbr.rel @p0 .LBB2_2-.Ltmp0, $4  }
0x51: {  	v23 =	vcvt.s32.f32 v16;
	v18 =	vtrunc.f32 v18;
	v20 =	vsel vm1, v20, v21  }
0x52: {  	v16 =	vtrunc.f32 v22;
	v22 =	vcvt.f32.s32 v18;
	v21 =	vadd.s32 $0xFFFEAE80, v20  }
0x53: {  	v23 =	vmul.f32 $6.750000000e+02, v23;
	v18 =	vsub.s32 v13, v19;
	v13 =	vmovc v24;
	v16 =	vcvt.f32.s32 v16  }
0x54: {  	s4 =	sadd.s32 $0x20, s4;
	vm1 =	vgt.s32 v20, $0x1517F;
	v19 =	vadd.s32 $0x15180, v18;
	v22 =	vcvt.s32.f32 v22  }
0x55: {  	v23 =	vmul.f32 $1.280000000e+02, v23  }
0x56: {  	v20 =	vsel vm1, v21, v20;
	v16 =	vcvt.s32.f32 v16;
	v21 =	vmul.f32 $6.750000000e+02, v22  }
0x57: {  	v15 =	vsel vm0, v17, v15;
	v20 =	vcvt.s32.f32 v20;
	v17 =	vtrunc.f32 v23  }
0x58: {  	vm0 =	vlt.s32 v18, $0x0;
	v16 =	vmul.f32 $6.750000000e+02, v16;
	v21 =	vmul.f32 $1.280000000e+02, v21  }
0x59: {  	v15 =	vcvt.s32.f32 v15;
	v18 =	vsel vm0, v19, v18;
	v17 =	vcvt.f32.s32 v17  }
0x5a: {  	vm0 =	vgt.s32 v18, $0x1517F;
	v16 =	vmul.f32 $1.280000000e+02, v16;
	v19 =	vtrunc.f32 v21  }
0x5b: {  	v14 =	vmin.f32 v14, v20;
	v11 =	vsub.s32 v11, v17;
	v17 =	vcvt.f32.s32 v19  }
0x5c: {  	vm1 =	vlt.s32 v11, $0x0;
	v21 =	vadd.s32 $0x15180, v11;
	v16 =	vtrunc.f32 v16  }
0x5d: {  	v14 =	vmin.f32 v14, v15;
	v11 =	vsel vm1, v21, v11;
	v16 =	vcvt.f32.s32 v16  }
0x5e: {  	v13 =	vsub.s32 v13, v17;
	v17 =	vadd.s32 $0xFFFEAE80, v11;
	vm1 =	vgt.s32 v11, $0x1517F  }
0x5f: {  	v19 =	vadd.s32 $0xFFFEAE80, v18;
	v21 =	vadd.s32 $0x15180, v13;
	v11 =	vsel vm1, v17, v11  }
0x60: {  	v17 =	vsel vm0, v19, v18;
	v12 =	vsub.s32 v12, v16;
	vm1 =	vlt.s32 v13, $0x0  }
0x61: {  	vm0 =	vlt.s32 v12, $0x0;
	v16 =	vadd.s32 $0x15180, v12;
	v13 =	vsel vm1, v21, v13  }
0x62: {  	v11 =	vcvt.s32.f32 v11;
	v12 =	vsel vm0, v16, v12;
	vm1 =	vgt.s32 v13, $0x1517F  }
0x63: {  	[tilespmem:s1+$0xFFFFFFF0] =	vst v20;
	v18 =	vadd.s32 $0xFFFEAE80, v13;
	v16 =	vadd.s32 $0xFFFEAE80, v12;
	vm0 =	vgt.s32 v12, $0x1517F  }
0x64: {  	s0 =	sadd.s32 $0x20, s0;
	[tilespmem:s1+$0x0] =	vst v15;
	v17 =	vcvt.s32.f32 v17;
	v13 =	vsel vm1, v18, v13;
	v12 =	vsel vm0, v16, v12  }
0x65: {  	[tilespmem:s0+$0xFFFFFFF0] =	vst v11;
	v14 =	vmin.f32 v14, v11;
	v13 =	vcvt.s32.f32 v13;
	v12 =	vcvt.s32.f32 v12  }
0x66: {  	s23 =	sadd.s32 $0x20, s0;
	[tilespmem:s0+$0x0] =	vst v17;
	v14 =	vmin.f32 v14, v17  }
0x67: {  	[tilespmem:s23+$0x0] =	vst v13;
	v14 =	vmin.f32 v14, v12  }
0x68: {  	[tilespmem:s23+$0xFFFFFFF0] =	vst v12;
	v14 =	vmin.f32 v14, v13  }
0x69: {  	[tilespmem:$0x2180] =	vst v14  }
0x6a: {  	v16 =	vld.idx.msk [tilespmem:v5+s22+$0x0], $0xffff;
	_ =	sdelay $0x4  }
0x6b: {  	v14 =	vmin.f32 v14, v16  }
0x6c: {  	[tilespmem:$0x2180] =	vst v14  }
0x6d: {  	v16 =	vld.idx.msk [tilespmem:v6+s22+$0x0], $0xffff;
	_ =	sdelay $0x4  }
0x6e: {  	v14 =	vmin.f32 v14, v16  }
0x6f: {  	[tilespmem:$0x2180] =	vst v14  }
0x70: {  	v16 =	vld.idx.msk [tilespmem:v7+s22+$0x0], $0xffff  }
0x71: {  	v10 =	vmax.f32 v10, v20  }
0x72: {  	v10 =	vmax.f32 v10, v15  }
0x73: {  	v10 =	vmax.f32 v10, v11  }
0x74: {  	v10 =	vmax.f32 v10, v17  }
0x75: {  	v10 =	vmax.f32 v10, v12;
	v11 =	vmin.f32 v14, v16  }
0x76: {  	v10 =	vmax.f32 v10, v13;
	[tilespmem:$0x2180] =	vst v11  }
0x77: {  	v12 =	vld.idx.msk [tilespmem:v8+s22+$0x0], $0xffff;
	[tilespmem:$0x2180] =	vst v10  }
0x78: {  	v13 =	vld.idx.msk [tilespmem:v5+s22+$0x0], $0xffff;
	_ =	sdelay $0x4  }
0x79: {  	v10 =	vmax.f32 v10, v13  }
0x7a: {  	[tilespmem:$0x2180] =	vst v10  }
0x7b: {  	v13 =	vld.idx.msk [tilespmem:v6+s22+$0x0], $0xffff;
	_ =	sdelay $0x4  }
0x7c: {  	v10 =	vmax.f32 v10, v13  }
0x7d: {  	[tilespmem:$0x2180] =	vst v10  }
0x7e: {  	v13 =	vld.idx.msk [tilespmem:v7+s22+$0x0], $0xffff;
	_ =	sdelay $0x4  }
0x7f: {  	v10 =	vmax.f32 v10, v13  }
0x80: {  	[tilespmem:$0x2180] =	vst v10  }
0x81: {  	v13 =	vld.idx.msk [tilespmem:v8+s22+$0x0], $0xffff;
	_ =	sdelay $0x4  }
0x82: {  	v17 =	vmin.f32 v11, v12;
	v10 =	vmax.f32 v10, v13  }
0x83: {  	v10 =	vsub.f32 v10, v17;
	_ =	sdelay $0x1  }
0x84: {  	(erf) = vrcp.f32 v10;
	_ =	sdelay $0x1  }
0x85: {  	v12 =	vld.idx.msk [tilespmem:v1+s21+$0x0], $0xffff  }
0x86: {  	v15 =	vld.idx.msk [tilespmem:v4+s20+$0x0], $0xffff  }
0x87: {  	v13 =	vld.idx.msk [tilespmem:v2+s20+$0x0], $0xffff  }
0x88: {  	v10 =	vld.idx.msk [tilespmem:v1+s20+$0x0], $0xffff  }
0x89: {  	v16 =	vld.idx.msk [tilespmem:v3+s20+$0x0], $0xffff  }
0x8a: {  	s24 =	simm.s32 $0x1010;
	v19 =	vld.idx.msk [tilespmem:v2+s21+$0x0], $0xffff  }
0x8b: {  	v23 =	vld [tilespmem:s24+$0x0]  }
0x8c: {  	v24 =	vld [tilespmem:s24+$0xFFFFFFF0];
	v18 =	vpop (erf)  }
0x8d: {  	v21 =	vld.idx.msk [tilespmem:v4+s21+$0x0], $0xffff;
	v11 =	vmul.f32 v18, v10;
	v14 =	vmul.f32 v13, v18  }
0x8e: {  	v15 =	vmul.f32 v15, v18;
	v18 =	vmul.f32 v16, v18  }
0x8f: {  	v20 =	vld.idx.msk [tilespmem:v3+s21+$0x0], $0xffff;
	v10 =	vmul.f32 v11, v17;
	v13 =	vmul.f32 v14, v17  }
0x90: {  	v16 =	vld.idx.msk [tilespmem:v0+s19+$0x0], $0xffff;
	v22 =	vmul.f32 v15, v17;
	v25 =	vmul.f32 v23, v15  }
0x91: {  	v26 =	vmul.f32 v24, v11;
	v12 =	vsub.f32 v12, v10;
	v10 =	vsub.f32 v19, v13  }
0x92: {  	v13 =	vmul.f32 v18, v17;
	v17 =	vsub.f32 v21, v22;
	v19 =	vmul.f32 v23, v11  }
0x93: {  	s1 =	simm.s32 $0x10;
	v21 =	vmul.f32 v24, v14;
	v22 =	vmul.f32 v24, v18  }
0x94: {  	v13 =	vsub.f32 v20, v13;
	v20 =	vor.u32 s1, v9;
	v27 =	vadd.f32 v25, v17  }
0x95: {  	s4 =	simm.s32 $0x0;
	s24 =	simm.s32 $0x0;
	v24 =	vmul.f32 v24, v15;
	v25 =	vadd.f32 v26, v12;
	vm0 =	vlt.s32 v20, v16  }
0x96: {  	s0 =	simm.s32 $0x2200;
	s23 =	simm.s32 $0x1030;
	s2 =	sand.u32 $0x7E0, s24;
	v20 =	vmul.f32 v23, v14;
	v23 =	vmul.f32 v23, v18;
	v26 =	vnsel vm0, $0x0, v27  }
.LBB2_4:
0x97: {  	v27 =	vld [tilespmem:s23+$0x0];
	s4 =	sadd.s32 $0x2, s4;
	v28 =	vor.u32 s24, v9;
	v21 =	vadd.f32 v21, v10;
	v22 =	vadd.f32 v22, v13;
	[tilespmem:s0+$0x3010] =	vst v26  }
0x98: {  	v24 =	vadd.f32 v24, v17;
	v19 =	vadd.f32 v19, v12;
	v26 =	vld [tilespmem:s23+$0xFFFFFFF0];
	p0 =	slt.u32 s4, $0x7E;
	vm1 =	vlt.s32 v28, v16  }
0x99: {  	v20 =	vadd.f32 v20, v10;
	v23 =	vadd.f32 v23, v13;
	v25 =	vnsel vm1, $0x0, v25  }
0x9a: {  	v21 =	vnsel vm1, $0x0, v21;
	v22 =	vnsel vm1, $0x0, v22;
	v24 =	vnsel vm1, $0x0, v24;
	[tilespmem:s0+$0x0] =	vst v25  }
0x9b: {  	v28 =	vnsel vm0, $0x0, v20;
	v25 =	vnsel vm0, $0x0, v19;
	v29 =	vnsel vm0, $0x0, v23;
	[tilespmem:s2+$0x3200] =	vst v21  }
.Ltmp1:
0x9c: {  	v19 =	vmul.f32 v27, v11;
	v20 =	vmul.f32 v27, v15;
	[tilespmem:s2+$0x4200] =	vst v22;
	(pc) =	sbr.rel @p0 .LBB2_4-.Ltmp1, $4  }
0x9d: {  	s1 =	sadd.s32 $0x20, s1;
	v23 =	vmul.f32 v26, v11;
	v21 =	vmul.f32 v26, v14;
	[tilespmem:s2+$0x5200] =	vst v24  }
0x9e: {  	s24 =	sadd.s32 $0xFFFFFFF0, s1;
	v30 =	vor.u32 s1, v9;
	v22 =	vmul.f32 v26, v18;
	v31 =	vadd.f32 v20, v17;
	[tilespmem:s0+$0x10] =	vst v25  }
0x9f: {  	vm0 =	vlt.s32 v30, v16;
	s2 =	sand.u32 $0x7E0, s24;
	v24 =	vmul.f32 v26, v15;
	v20 =	vmul.f32 v27, v14;
	[tilespmem:s0+$0x1010] =	vst v28  }
0xa0: {  	s23 =	sadd.s32 $0x20, s23;
	v25 =	vadd.f32 v23, v12;
	v23 =	vmul.f32 v27, v18;
	v26 =	vnsel vm0, $0x0, v31;
	[tilespmem:s0+$0x2010] =	vst v29;
	s0 =	sadd.s32 $0x20, s0  }
0xa1: {  	v27 =	vor.u32 s24, v9  }
0xa2: {  	v19 =	vadd.f32 v19, v12;
	vm1 =	vlt.s32 v27, v16  }
0xa3: {  	[tilespmem:s0+$0x3010] =	vst v26;
	v20 =	vadd.f32 v20, v10;
	v25 =	vnsel vm1, $0x0, v25  }
0xa4: {  	v22 =	vadd.f32 v22, v13;
	v19 =	vnsel vm0, $0x0, v19;
	[tilespmem:s0+$0x0] =	vst v25  }
0xa5: {  	v21 =	vadd.f32 v21, v10;
	v20 =	vnsel vm0, $0x0, v20;
	[tilespmem:s0+$0x10] =	vst v19  }
0xa6: {  	v24 =	vadd.f32 v24, v17;
	v22 =	vnsel vm1, $0x0, v22;
	[tilespmem:s0+$0x1010] =	vst v20  }
0xa7: {  	v21 =	vnsel vm1, $0x0, v21;
	[tilespmem:s2+$0x4200] =	vst v22;
	v22 =	vadd.f32 v23, v13  }
0xa8: {  	[tilespmem:s2+$0x3200] =	vst v21;
	v21 =	vnsel vm1, $0x0, v24  }
0xa9: {  	[tilespmem:s2+$0x5200] =	vst v21;
	v19 =	vnsel vm0, $0x0, v22  }
0xaa: {  	s4 =	simm.s32 $0x2200;
	[tilespmem:s0+$0x2010] =	vst v19  }
0xab: {  	[hbm4b:s8+s17] =	stream.strided.scatter [tilespmem:s4], [sflag:$0x1], $0x800, s18, s17, $0x38;
	[tilespmem:$0x6200] =	vst v63  }
0xac: {  	s23 =	simm.s32 $0x3200  }
0xad: {  	[hbm4b:s9+s17] =	stream.strided.scatter [tilespmem:s23], [sflag:$0x1], $0x800, s18, s17, $0x38;
	[tilespmem:$0x6200] =	vst v63  }
0xae: {  	_ = 	snop  }
0xaf: {  	[hbm4b:s10+s17] =	stream.strided.scatter [tilespmem:s25], [sflag:$0x1], $0x800, s18, s17, $0x38;
	[tilespmem:$0x6200] =	vst v63  }
0xb0: {  	s24 =	simm.s32 $0x1810  }
0xb1: {  	[hbm4b:s11+s17] =	stream.strided.scatter [tilespmem:s26], [sflag:$0x1], $0x800, s18, s17, $0x38;
	[tilespmem:$0x6200] =	vst v63  }
0xb2: {  	v23 =	vld [tilespmem:s24+$0x0]  }
0xb3: {  	v20 =	vld [tilespmem:s24+$0xFFFFFFF0];
	_ =	sdelay $0x3  }
0xb4: {  	s1 =	simm.s32 $0x810;
	v24 =	vmul.f32 v23, v15  }
0xb5: {  	v26 =	vor.u32 s1, v9;
	v19 =	vmul.f32 v23, v11;
	v25 =	vmul.f32 v20, v11  }
0xb6: {  	v21 =	vmul.f32 v20, v14;
	v22 =	vmul.f32 v20, v18;
	v27 =	vadd.f32 v24, v17  }
0xb7: {  	vm0 =	vlt.s32 v26, v16;
	s0 =	simm.s32 $0x4A10;
	s24 =	simm.s32 $0x800;
	v24 =	vmul.f32 v20, v15;
	v20 =	vmul.f32 v23, v14  }
0xb8: {  	s4 =	simm.s32 $0x80;
	s23 =	simm.s32 $0x1830;
	s2 =	sand.u32 $0xFE0, s24;
	v25 =	vadd.f32 v25, v12;
	v23 =	vmul.f32 v23, v18;
	v26 =	vnsel vm0, $0x0, v27  }
.LBB2_6:
0xb9: {  	v27 =	vld [tilespmem:s23+$0x0];
	s4 =	sadd.s32 $0x2, s4;
	v28 =	vor.u32 s24, v9;
	v21 =	vadd.f32 v21, v10;
	v22 =	vadd.f32 v22, v13;
	[tilespmem:s0+$0x1000] =	vst v26  }
0xba: {  	v24 =	vadd.f32 v24, v17;
	v19 =	vadd.f32 v19, v12;
	v26 =	vld [tilespmem:s23+$0xFFFFFFF0];
	p0 =	slt.u32 s4, $0xFE;
	vm1 =	vlt.s32 v28, v16  }
0xbb: {  	v20 =	vadd.f32 v20, v10;
	v23 =	vadd.f32 v23, v13;
	v25 =	vnsel vm1, $0x0, v25  }
0xbc: {  	v21 =	vnsel vm1, $0x0, v21;
	v22 =	vnsel vm1, $0x0, v22;
	v24 =	vnsel vm1, $0x0, v24;
	[tilespmem:s0+$0xFFFFDFF0] =	vst v25  }
0xbd: {  	v28 =	vnsel vm0, $0x0, v20;
	v25 =	vnsel vm0, $0x0, v19;
	v29 =	vnsel vm0, $0x0, v23;
	[tilespmem:s2+$0x3200] =	vst v21  }
.Ltmp2:
0xbe: {  	v19 =	vmul.f32 v27, v11;
	v20 =	vmul.f32 v27, v15;
	[tilespmem:s2+$0x4200] =	vst v22;
	(pc) =	sbr.rel @p0 .LBB2_6-.Ltmp2, $4  }
0xbf: {  	s1 =	sadd.s32 $0x20, s1;
	v23 =	vmul.f32 v26, v11;
	v21 =	vmul.f32 v26, v14;
	[tilespmem:s2+$0x5200] =	vst v24  }
0xc0: {  	s24 =	sadd.s32 $0xFFFFFFF0, s1;
	v30 =	vor.u32 s1, v9;
	v22 =	vmul.f32 v26, v18;
	v31 =	vadd.f32 v20, v17;
	[tilespmem:s0+$0xFFFFE000] =	vst v25  }
0xc1: {  	vm0 =	vlt.s32 v30, v16;
	s2 =	sand.u32 $0xFE0, s24;
	v24 =	vmul.f32 v26, v15;
	v20 =	vmul.f32 v27, v14;
	[tilespmem:s0+$0xFFFFF000] =	vst v28  }
0xc2: {  	s23 =	sadd.s32 $0x20, s23;
	v25 =	vadd.f32 v23, v12;
	v23 =	vmul.f32 v27, v18;
	v26 =	vnsel vm0, $0x0, v31;
	[tilespmem:s0+$0x0] =	vst v29;
	s0 =	sadd.s32 $0x20, s0  }
0xc3: {  	v11 =	vor.u32 s24, v9  }
0xc4: {  	v12 =	vadd.f32 v19, v12;
	vm1 =	vlt.s32 v11, v16  }
0xc5: {  	v14 =	vadd.f32 v21, v10;
	[tilespmem:s0+$0x1000] =	vst v26;
	v10 =	vadd.f32 v20, v10;
	v15 =	vnsel vm1, $0x0, v25  }
0xc6: {  	v11 =	vadd.f32 v22, v13;
	v12 =	vnsel vm0, $0x0, v12;
	[tilespmem:s0+$0xFFFFDFF0] =	vst v15  }
0xc7: {  	v10 =	vnsel vm0, $0x0, v10;
	[tilespmem:s0+$0xFFFFE000] =	vst v12  }
0xc8: {  	v62 =	vadd.f32 v24, v17;
	v11 =	vnsel vm1, $0x0, v11;
	[tilespmem:s0+$0xFFFFF000] =	vst v10  }
0xc9: {  	v14 =	vnsel vm1, $0x0, v14;
	[tilespmem:s2+$0x4200] =	vst v11;
	v11 =	vadd.f32 v23, v13  }
0xca: {  	v63 =	vnsel vm1, $0x0, v62;
	[tilespmem:s2+$0x3200] =	vst v14  }
0xcb: {  	[tilespmem:s2+$0x5200] =	vst v63;
	v11 =	vnsel vm0, $0x0, v11  }
0xcc: {  	[tilespmem:s0+$0x0] =	vst v11  }
0xcd: {  	[hbm4b:s12+s17] =	stream.strided.scatter [tilespmem:s28], [sflag:$0x1], $0x800, s18, s17, $0x38;
	[tilespmem:$0x6200] =	vst v63  }
0xce: {  	_ = 	snop  }
0xcf: {  	[hbm4b:s13+s17] =	stream.strided.scatter [tilespmem:s29], [sflag:$0x1], $0x800, s18, s17, $0x38;
	[tilespmem:$0x6200] =	vst v63  }
0xd0: {  	_ = 	snop  }
0xd1: {  	[hbm4b:s14+s17] =	stream.strided.scatter [tilespmem:s30], [sflag:$0x1], $0x800, s18, s17, $0x38;
	[tilespmem:$0x6200] =	vst v63  }
0xd2: {  	_ = 	snop  }
0xd3: {  	[hbm4b:s15+s17] =	stream.strided.scatter [tilespmem:s31], [sflag:$0x1], $0x800, s18, s17, $0x38;
	[tilespmem:$0x6200] =	vst v63  }
0xd4: {  	_ =	swait.ge [sflag:s6], $0x800  }
0xd5: {  	[sflag:s6] =	ssyncset.done $0x0  }
0xd6: {  	[sflag:s6] =	ssyncadd.s32 $0xFFFFF800  }
0xd7: {  	_ =	swait.ge [sflag:s6], $0x800  }
0xd8: {  	[sflag:s6] =	ssyncset.done $0x0  }
0xd9: {  	[sflag:s6] =	ssyncadd.s32 $0xFFFFF800  }
0xda: {  	_ =	swait.ge [sflag:s6], $0x800  }
0xdb: {  	[sflag:s6] =	ssyncset.done $0x0  }
0xdc: {  	[sflag:s6] =	ssyncadd.s32 $0xFFFFF800  }
0xdd: {  	_ =	swait.ge [sflag:s6], $0x800  }
0xde: {  	[sflag:s6] =	ssyncset.done $0x0  }
0xdf: {  	[sflag:s6] =	ssyncadd.s32 $0xFFFFF800  }
0xe0: {  	_ =	swait.ge [sflag:s6], $0x800  }
0xe1: {  	[sflag:s6] =	ssyncset.done $0x0  }
0xe2: {  	[sflag:s6] =	ssyncadd.s32 $0xFFFFF800  }
0xe3: {  	_ =	swait.ge [sflag:s6], $0x800  }
0xe4: {  	[sflag:s6] =	ssyncset.done $0x0  }
0xe5: {  	s3 =	sadd.s32 $0x1, s3;
	[sflag:s6] =	ssyncadd.s32 $0xFFFFF800  }
0xe6: {  	p0 =	sne.s32 s3, s16;
	_ =	swait.ge [sflag:s6], $0x800  }
.Ltmp3:
0xe7: {  	[sflag:s6] =	ssyncset.done $0x0;
	(pc) =	sbr.rel @p0 .LBB2_1-.Ltmp3, $4  }
0xe8: {  	[sflag:s6] =	ssyncadd.s32 $0xFFFFF800  }
0xe9: {  	_ =	swait.ge [sflag:s6], $0x800  }
0xea: {  	[sflag:s6] =	ssyncset.done $0x0  }
0xeb: {  	[sflag:s6] =	ssyncadd.s32 $0xFFFFF800  }
0xec: {  	_ =	sfence.sel $0x180000  }
0xed: {  	[bflag:$0x0] =	sbarrier.arrive $0xFFFF  }
0xee: {  	_ =	strace $0x90000047  }
0xef: {  	s0 =	stileid.u32;
	[bflag:$0x2] =	sbarrier.arrive $0xFFFF  }
0xf0: {  	p0 =	sne.s32 s0, $0x0;
	s0 =	rddreg [dreg:$0x5]  }
0xf1: {  	s0 =	sadd.s32 @!p0 $0x100000, s0  }
0xf2: {  	[sflag:s0] =	ssyncadd.tile.s32 @!p0 $0x1;
	_ =	shalt  }
.Lfunc_end2:
_tile_overlayer_lowered:
.L_overlay_start_2:
0xf3: {  	(tag) =	ssettag $0x2  }
0xf4: {  	s0 =	rddreg [dreg:$0x0];
	s2 =	stileid.u32  }
0xf5: {  	s1 =	rddreg [dreg:$0x1];
	p0 =	sne.s32 s2, $0x0  }
0xf6: {  	s3 =	rddreg [dreg:$0x2];
	[bflag:$0x3] =	sbarrier.arrive $0xFFFF;
	s2 =	simm.s32 @!p0 $0x1C02  }
0xf7: {  	[timem:s3], [sflag:s2] =	dma.local @!p0 [hbm:s0], s1  }
0xf8: {  	s0 =	simm.s32 @!p0 $0x2  }
0xf9: {  	_ =	swait.ge @!p0 [sflag:s0], s1  }
0xfa: {  	s1 =	ssub.s32 @!p0 $0x0, s1;
	[sflag:s0] =	ssyncset.done @!p0 $0x0  }
0xfb: {  	[sflag:s0] =	ssyncadd.s32 @!p0 s1  }
0xfc: {  	[bflag:$0x3] =	sbarrier.arrive $0xFFFF  }
0xfd: {  	_ =	shalt  }

</sc_bundles>
